<compile_context>
chip_gen: v7x
topology: tpu7x:2x2x1
jax: 0.10.2.dev20260603
libtpu: 0.0.44.dev20260713+nightly
codegen_flags: <defaults>
</compile_context>

<pallas_src>
import jax
import jax.numpy as jnp
from jax import lax
from jax.experimental import pallas as pl
from jax.experimental.pallas import tpu as pltpu
from jax.experimental.pallas import tpu_sc as plsc

_N = 102400
_E = 64
_CH = 128
_NBUF = 5

_info = plsc.get_sparse_core_info()
_NC, _NS = _info.num_cores, _info.num_subcores
_NW = _NC * _NS
_PW = _N // _NW
_NG = _PW // _CH


def _sc_body(idx_hbm, table_hbm, out_hbm, idx_v, rows_v,
             g0, g1, g2, g3, g4, wsem):
    gsems = (g0, g1, g2, g3, g4)
    wid = lax.axis_index("s") * _NC + lax.axis_index("c")
    base = wid * _PW
    pltpu.sync_copy(idx_hbm.at[pl.ds(base, _PW)], idx_v)

    for s in range(_NBUF):
        pltpu.async_copy(
            table_hbm.at[idx_v.at[pl.ds(_CH * s, _CH)]], rows_v.at[s],
            gsems[s])

    def step(g, carry):
        for s in range(_NBUF):
            i = g * _NBUF + s
            pltpu.make_async_copy(
                table_hbm.at[idx_v.at[pl.ds(i * _CH, _CH)]], rows_v.at[s],
                gsems[s]).wait()
            pltpu.async_copy(
                rows_v.at[s], out_hbm.at[pl.ds(base + i * _CH, _CH)],
                wsem).wait()
            nxt = i + _NBUF

            @pl.when(nxt < _NG)
            def _():
                pltpu.async_copy(
                    table_hbm.at[idx_v.at[pl.ds(nxt * _CH, _CH)]],
                    rows_v.at[s], gsems[s])
        return carry

    lax.fori_loop(0, _NG // _NBUF, step, 0)


_sc = pl.kernel(
    _sc_body,
    mesh=plsc.VectorSubcoreMesh(core_axis_name="c", subcore_axis_name="s"),
    out_type=jax.ShapeDtypeStruct((_N, _E), jnp.float32),
    scratch_types=[
        pltpu.VMEM((_PW,), jnp.int32),
        pltpu.VMEM((_NBUF, _CH, _E), jnp.float32),
        pltpu.SemaphoreType.DMA,
        pltpu.SemaphoreType.DMA,
        pltpu.SemaphoreType.DMA,
        pltpu.SemaphoreType.DMA,
        pltpu.SemaphoreType.DMA,
        pltpu.SemaphoreType.DMA,
    ],
    compiler_params=pltpu.CompilerParams(use_tc_tiling_on_sc=False),
)


_RP = 10


def _tc_body(in_ref, out_ref):
    for i in range(_RP):
        sub = in_ref[pl.ds(i * 512, 512), :]
        t0 = jnp.transpose(sub[:, 0:_E])
        t1 = jnp.transpose(sub[:, _E:2 * _E])
        out_ref[:, i, :, 0:512] = jnp.broadcast_to(t0[None], (4, _E, 512))
        out_ref[:, i, :, 512:1024] = jnp.broadcast_to(t1[None], (4, _E, 512))


_tc = pl.pallas_call(
    _tc_body,
    grid=(100 // _RP,),
    in_specs=[pl.BlockSpec((_RP * 512, 128), lambda g: (g, 0))],
    out_specs=pl.BlockSpec((4, _RP, _E, 1024), lambda g: (0, g, 0, 0)),
    out_shape=jax.ShapeDtypeStruct((4, 100, _E, 1024), jnp.float32),
)


def kernel(x, table):
    xt = x.transpose(1, 2, 0).reshape(100, 1024).astype(jnp.int32)
    xt = xt.reshape(100, 2, 512).transpose(0, 2, 1).reshape(-1)
    inter = _sc(xt, table)
    out4 = _tc(inter.reshape(51200, 128))
    return (out4.reshape(80, 5, _E, 1024).transpose(3, 0, 1, 2))

# --- scband reference (transcript-rebuilt; emitter-appended) ---
"""Pipeline reference for scband-skip-gram-53180285059876 (READ-ONLY COPY).

The authoritative reference and input builder live on the scoring server;
editing this copy changes nothing except your own understanding.
"""

import jax, jax.numpy as jnp
import numpy as np

VOCAB = 100000
EMBED = 64
CONTEXT_SIZE = 5
PAD_IDX = 0


def setup_inputs(seed: int = 0) -> dict:
    key = jax.random.key(seed)
    k1, k2 = jax.random.split(key)
    x = jax.random.randint(k1, (1024, 20, 5), 0, VOCAB)
    table = jax.random.normal(k2, (VOCAB, EMBED), dtype=jnp.float32)
    # nn.Embedding(padding_idx=PAD_IDX) initializes the padding row to zeros
    table = table.at[PAD_IDX].set(0.0)
    return {"x": x, "table": table}


def reference(x, table):
    # embedding lookup: (B, neighbor, n_subseq) -> (B, neighbor, n_subseq, E)
    emb = jnp.take(table, x, axis=0)
    # torch .repeat(1, context_size-1, 1, 1) == jnp.tile along dim 1
    return jnp.tile(emb, (1, CONTEXT_SIZE - 1, 1, 1))

if __name__ == "__main__":
    import jax
    _d = setup_inputs()
    print(jax.jit(kernel)(*tuple(_d.values())))

</pallas_src>

<mosaic_0001>
#map = affine_map<(d0, d1) -> (0)>
#map1 = affine_map<(d0, d1) -> (0, 0)>
module attributes {stable_mosaic.version = 14 : i64} {
  func.func @_sc_body(%arg0: i32, %arg1: i32, %arg2: memref<102400xi32, #tpu.memory_space<hbm>>, %arg3: memref<100000x64xf32, #tpu.memory_space<hbm>>, %arg4: memref<102400x64xf32, #tpu.memory_space<hbm>>, %arg5: memref<3200xi32, #tpu.memory_space<vmem>>, %arg6: memref<5x128x64xf32, #tpu.memory_space<vmem>>, %arg7: memref<!tpu.dma_semaphore, #tpu.memory_space<semaphore_mem>>, %arg8: memref<!tpu.dma_semaphore, #tpu.memory_space<semaphore_mem>>, %arg9: memref<!tpu.dma_semaphore, #tpu.memory_space<semaphore_mem>>, %arg10: memref<!tpu.dma_semaphore, #tpu.memory_space<semaphore_mem>>, %arg11: memref<!tpu.dma_semaphore, #tpu.memory_space<semaphore_mem>>, %arg12: memref<!tpu.dma_semaphore, #tpu.memory_space<semaphore_mem>>) attributes {dimension_semantics = [#tpu.dimension_semantics<core_parallel>, #tpu.dimension_semantics<subcore_parallel>], iteration_bounds = array<i64: 2, 16>, scalar_prefetch = 0 : i64, scratch_operands = 8 : i64, tpu.core_type = #tpu.core_type<sc_vector_subcore>, window_params = [{transform_indices = #map}, {transform_indices = #map1}, {transform_indices = #map1}]} {
    %mul3A = arith.constant 2 : i32
    %mul3A_0 = arith.muli %arg1, %mul3A : i32
    %add3A = arith.addi %mul3A_0, %arg0 : i32
    %mul3A_1 = arith.constant 3200 : i32
    %mul3A_2 = arith.muli %add3A, %mul3A_1 : i32
    "tpu.region"() ({
      %run_scoped3A = tpu.sem_alloc : memref<!tpu.dma_semaphore, #tpu.memory_space<semaphore_mem>>
      %dma_start3A_57 = tpu.memref_slice %arg2[%mul3A_2] : memref<102400xi32, #tpu.memory_space<hbm>> -> memref<3200xi32, #tpu.memory_space<hbm>>
      %dma_start3A_58 = tpu.memref_slice %arg2[%mul3A_2] : memref<102400xi32, #tpu.memory_space<hbm>> -> memref<3200xi32, #tpu.memory_space<hbm>>
      tpu.enqueue_dma source(%dma_start3A_58 : memref<3200xi32, #tpu.memory_space<hbm>>) target(%arg5 : memref<3200xi32, #tpu.memory_space<vmem>>) target_semaphore(%run_scoped3A : memref<!tpu.dma_semaphore, #tpu.memory_space<semaphore_mem>>)
      %dma_wait3A = tpu.memref_slice %arg2[%mul3A_2] : memref<102400xi32, #tpu.memory_space<hbm>> -> memref<3200xi32, #tpu.memory_space<hbm>>
      %dma_wait3A_59 = tpu.memref_slice %arg2[%mul3A_2] : memref<102400xi32, #tpu.memory_space<hbm>> -> memref<3200xi32, #tpu.memory_space<hbm>>
      tpu.wait_dma2 semaphore(%run_scoped3A : memref<!tpu.dma_semaphore, #tpu.memory_space<semaphore_mem>>) src(%dma_wait3A_59 : memref<3200xi32, #tpu.memory_space<hbm>>) dst(%arg5 : memref<3200xi32, #tpu.memory_space<vmem>>)
      tpu.yield
    }) : () -> ()
    %dma_start3A = arith.constant 0 : i32
    %dma_start3A_3 = arith.constant 0 : i32
    %dma_start3A_4 = arith.constant 0 : i32
    %dma_start3A_5 = tpu.memref_slice %arg6[%dma_start3A, %dma_start3A_3, %dma_start3A_4] : memref<5x128x64xf32, #tpu.memory_space<vmem>> -> memref<1x128x64xf32, #tpu.memory_space<vmem>>
    %dma_start3A_6 = tpu.memref_squeeze %dma_start3A_5 : memref<1x128x64xf32, #tpu.memory_space<vmem>> -> memref<128x64xf32, #tpu.memory_space<vmem>>
    %dma_start3A_7 = arith.constant 0 : i32
    %dma_start3A_8 = tpu.memref_slice %arg5[%dma_start3A_7] : memref<3200xi32, #tpu.memory_space<vmem>> -> memref<128xi32, #tpu.memory_space<vmem>>
    %dma_start3A_9 = arith.constant 0 : i32
    %dma_start3A_10 = arith.constant 0 : i32
    %dma_start3A_11 = tpu.memref_slice %arg3[%dma_start3A_9, %dma_start3A_10] : memref<100000x64xf32, #tpu.memory_space<hbm>> -> memref<100000x64xf32, #tpu.memory_space<hbm>>
    tpu.enqueue_indirect_dma source(%dma_start3A_11 : memref<100000x64xf32, #tpu.memory_space<hbm>>) target(%dma_start3A_6 : memref<128x64xf32, #tpu.memory_space<vmem>>) offsets(%dma_start3A_8 : memref<128xi32, #tpu.memory_space<vmem>>) semaphore(%arg7 : memref<!tpu.dma_semaphore, #tpu.memory_space<semaphore_mem>>)
    %dma_start3A_12 = arith.constant 1 : i32
    %dma_start3A_13 = arith.constant 0 : i32
    %dma_start3A_14 = arith.constant 0 : i32
    %dma_start3A_15 = tpu.memref_slice %arg6[%dma_start3A_12, %dma_start3A_13, %dma_start3A_14] : memref<5x128x64xf32, #tpu.memory_space<vmem>> -> memref<1x128x64xf32, #tpu.memory_space<vmem>>
    %dma_start3A_16 = tpu.memref_squeeze %dma_start3A_15 : memref<1x128x64xf32, #tpu.memory_space<vmem>> -> memref<128x64xf32, #tpu.memory_space<vmem>>
    %dma_start3A_17 = arith.constant 128 : i32
    %dma_start3A_18 = tpu.memref_slice %arg5[%dma_start3A_17] : memref<3200xi32, #tpu.memory_space<vmem>> -> memref<128xi32, #tpu.memory_space<vmem>>
    %dma_start3A_19 = arith.constant 0 : i32
    %dma_start3A_20 = arith.constant 0 : i32
    %dma_start3A_21 = tpu.memref_slice %arg3[%dma_start3A_19, %dma_start3A_20] : memref<100000x64xf32, #tpu.memory_space<hbm>> -> memref<100000x64xf32, #tpu.memory_space<hbm>>
    tpu.enqueue_indirect_dma source(%dma_start3A_21 : memref<100000x64xf32, #tpu.memory_space<hbm>>) target(%dma_start3A_16 : memref<128x64xf32, #tpu.memory_space<vmem>>) offsets(%dma_start3A_18 : memref<128xi32, #tpu.memory_space<vmem>>) semaphore(%arg8 : memref<!tpu.dma_semaphore, #tpu.memory_space<semaphore_mem>>)
    %dma_start3A_22 = arith.constant 2 : i32
    %dma_start3A_23 = arith.constant 0 : i32
    %dma_start3A_24 = arith.constant 0 : i32
    %dma_start3A_25 = tpu.memref_slice %arg6[%dma_start3A_22, %dma_start3A_23, %dma_start3A_24] : memref<5x128x64xf32, #tpu.memory_space<vmem>> -> memref<1x128x64xf32, #tpu.memory_space<vmem>>
    %dma_start3A_26 = tpu.memref_squeeze %dma_start3A_25 : memref<1x128x64xf32, #tpu.memory_space<vmem>> -> memref<128x64xf32, #tpu.memory_space<vmem>>
    %dma_start3A_27 = arith.constant 256 : i32
    %dma_start3A_28 = tpu.memref_slice %arg5[%dma_start3A_27] : memref<3200xi32, #tpu.memory_space<vmem>> -> memref<128xi32, #tpu.memory_space<vmem>>
    %dma_start3A_29 = arith.constant 0 : i32
    %dma_start3A_30 = arith.constant 0 : i32
    %dma_start3A_31 = tpu.memref_slice %arg3[%dma_start3A_29, %dma_start3A_30] : memref<100000x64xf32, #tpu.memory_space<hbm>> -> memref<100000x64xf32, #tpu.memory_space<hbm>>
    tpu.enqueue_indirect_dma source(%dma_start3A_31 : memref<100000x64xf32, #tpu.memory_space<hbm>>) target(%dma_start3A_26 : memref<128x64xf32, #tpu.memory_space<vmem>>) offsets(%dma_start3A_28 : memref<128xi32, #tpu.memory_space<vmem>>) semaphore(%arg9 : memref<!tpu.dma_semaphore, #tpu.memory_space<semaphore_mem>>)
    %dma_start3A_32 = arith.constant 3 : i32
    %dma_start3A_33 = arith.constant 0 : i32
    %dma_start3A_34 = arith.constant 0 : i32
    %dma_start3A_35 = tpu.memref_slice %arg6[%dma_start3A_32, %dma_start3A_33, %dma_start3A_34] : memref<5x128x64xf32, #tpu.memory_space<vmem>> -> memref<1x128x64xf32, #tpu.memory_space<vmem>>
    %dma_start3A_36 = tpu.memref_squeeze %dma_start3A_35 : memref<1x128x64xf32, #tpu.memory_space<vmem>> -> memref<128x64xf32, #tpu.memory_space<vmem>>
    %dma_start3A_37 = arith.constant 384 : i32
    %dma_start3A_38 = tpu.memref_slice %arg5[%dma_start3A_37] : memref<3200xi32, #tpu.memory_space<vmem>> -> memref<128xi32, #tpu.memory_space<vmem>>
    %dma_start3A_39 = arith.constant 0 : i32
    %dma_start3A_40 = arith.constant 0 : i32
    %dma_start3A_41 = tpu.memref_slice %arg3[%dma_start3A_39, %dma_start3A_40] : memref<100000x64xf32, #tpu.memory_space<hbm>> -> memref<100000x64xf32, #tpu.memory_space<hbm>>
    tpu.enqueue_indirect_dma source(%dma_start3A_41 : memref<100000x64xf32, #tpu.memory_space<hbm>>) target(%dma_start3A_36 : memref<128x64xf32, #tpu.memory_space<vmem>>) offsets(%dma_start3A_38 : memref<128xi32, #tpu.memory_space<vmem>>) semaphore(%arg10 : memref<!tpu.dma_semaphore, #tpu.memory_space<semaphore_mem>>)
    %dma_start3A_42 = arith.constant 4 : i32
    %dma_start3A_43 = arith.constant 0 : i32
    %dma_start3A_44 = arith.constant 0 : i32
    %dma_start3A_45 = tpu.memref_slice %arg6[%dma_start3A_42, %dma_start3A_43, %dma_start3A_44] : memref<5x128x64xf32, #tpu.memory_space<vmem>> -> memref<1x128x64xf32, #tpu.memory_space<vmem>>
    %dma_start3A_46 = tpu.memref_squeeze %dma_start3A_45 : memref<1x128x64xf32, #tpu.memory_space<vmem>> -> memref<128x64xf32, #tpu.memory_space<vmem>>
    %dma_start3A_47 = arith.constant 512 : i32
    %dma_start3A_48 = tpu.memref_slice %arg5[%dma_start3A_47] : memref<3200xi32, #tpu.memory_space<vmem>> -> memref<128xi32, #tpu.memory_space<vmem>>
    %dma_start3A_49 = arith.constant 0 : i32
    %dma_start3A_50 = arith.constant 0 : i32
    %dma_start3A_51 = tpu.memref_slice %arg3[%dma_start3A_49, %dma_start3A_50] : memref<100000x64xf32, #tpu.memory_space<hbm>> -> memref<100000x64xf32, #tpu.memory_space<hbm>>
    tpu.enqueue_indirect_dma source(%dma_start3A_51 : memref<100000x64xf32, #tpu.memory_space<hbm>>) target(%dma_start3A_46 : memref<128x64xf32, #tpu.memory_space<vmem>>) offsets(%dma_start3A_48 : memref<128xi32, #tpu.memory_space<vmem>>) semaphore(%arg11 : memref<!tpu.dma_semaphore, #tpu.memory_space<semaphore_mem>>)
    %scan3A = arith.constant 0 : i32
    %scan3A_52 = arith.constant 0 : i32
    %scan3A_53 = arith.constant 5 : i32
    %scan3A_54 = arith.addi %scan3A_52, %scan3A_53 : i32
    %scan3A_55 = arith.constant 1 : i32
    scf.for %scan3A_57 = %scan3A_52 to %scan3A_54 step %scan3A_55  : i32 {
      %mul3A_58 = arith.constant 5 : i32
      %mul3A_59 = arith.muli %scan3A_57, %mul3A_58 : i32
      %add3A_60 = arith.constant 0 : i32
      %add3A_61 = arith.addi %mul3A_59, %add3A_60 : i32
      %mul3A_62 = arith.constant 128 : i32
      %mul3A_63 = arith.muli %add3A_61, %mul3A_62 : i32
      %dma_wait3A = arith.constant 0 : i32
      %dma_wait3A_64 = arith.constant 0 : i32
      %dma_wait3A_65 = arith.constant 0 : i32
      %dma_wait3A_66 = tpu.memref_slice %arg6[%dma_wait3A, %dma_wait3A_64, %dma_wait3A_65] : memref<5x128x64xf32, #tpu.memory_space<vmem>> -> memref<1x128x64xf32, #tpu.memory_space<vmem>>
      %dma_wait3A_67 = tpu.memref_squeeze %dma_wait3A_66 : memref<1x128x64xf32, #tpu.memory_space<vmem>> -> memref<128x64xf32, #tpu.memory_space<vmem>>
      %dma_wait3A_68 = tpu.memref_slice %arg5[%mul3A_63] : memref<3200xi32, #tpu.memory_space<vmem>> -> memref<128xi32, #tpu.memory_space<vmem>>
      %dma_wait3A_69 = arith.constant 0 : i32
      %dma_wait3A_70 = arith.constant 0 : i32
      %dma_wait3A_71 = tpu.memref_slice %arg3[%dma_wait3A_69, %dma_wait3A_70] : memref<100000x64xf32, #tpu.memory_space<hbm>> -> memref<100000x64xf32, #tpu.memory_space<hbm>>
      tpu.wait_indirect_dma semaphore(%arg7 : memref<!tpu.dma_semaphore, #tpu.memory_space<semaphore_mem>>) src(%dma_wait3A_71 : memref<100000x64xf32, #tpu.memory_space<hbm>>) dst(%dma_wait3A_67 : memref<128x64xf32, #tpu.memory_space<vmem>>)
      %mul3A_72 = arith.constant 128 : i32
      %mul3A_73 = arith.muli %add3A_61, %mul3A_72 : i32
      %add3A_74 = arith.addi %mul3A_2, %mul3A_73 : i32
      %dma_start3A_75 = arith.constant 0 : i32
      %dma_start3A_76 = arith.constant 0 : i32
      %dma_start3A_77 = arith.constant 0 : i32
      %dma_start3A_78 = tpu.memref_slice %arg6[%dma_start3A_75, %dma_start3A_76, %dma_start3A_77] : memref<5x128x64xf32, #tpu.memory_space<vmem>> -> memref<1x128x64xf32, #tpu.memory_space<vmem>>
      %dma_start3A_79 = tpu.memref_squeeze %dma_start3A_78 : memref<1x128x64xf32, #tpu.memory_space<vmem>> -> memref<128x64xf32, #tpu.memory_space<vmem>>
      %dma_start3A_80 = arith.constant 0 : i32
      %dma_start3A_81 = tpu.memref_slice %arg4[%add3A_74, %dma_start3A_80] : memref<102400x64xf32, #tpu.memory_space<hbm>> -> memref<128x64xf32, #tpu.memory_space<hbm>>
      %dma_start3A_82 = arith.constant 0 : i32
      %dma_start3A_83 = tpu.memref_slice %arg4[%add3A_74, %dma_start3A_82] : memref<102400x64xf32, #tpu.memory_space<hbm>> -> memref<128x64xf32, #tpu.memory_space<hbm>>
      %dma_start3A_84 = arith.constant 0 : i32
      %dma_start3A_85 = arith.constant 0 : i32
      %dma_start3A_86 = tpu.memref_slice %arg6[%dma_start3A_75, %dma_start3A_84, %dma_start3A_85] : memref<5x128x64xf32, #tpu.memory_space<vmem>> -> memref<1x128x64xf32, #tpu.memory_space<vmem>>
      %dma_start3A_87 = tpu.memref_squeeze %dma_start3A_86 : memref<1x128x64xf32, #tpu.memory_space<vmem>> -> memref<128x64xf32, #tpu.memory_space<vmem>>
      tpu.enqueue_dma source(%dma_start3A_87 : memref<128x64xf32, #tpu.memory_space<vmem>>) target(%dma_start3A_83 : memref<128x64xf32, #tpu.memory_space<hbm>>) target_semaphore(%arg12 : memref<!tpu.dma_semaphore, #tpu.memory_space<semaphore_mem>>)
      %dma_wait3A_88 = arith.constant 0 : i32
      %dma_wait3A_89 = arith.constant 0 : i32
      %dma_wait3A_90 = arith.constant 0 : i32
      %dma_wait3A_91 = tpu.memref_slice %arg6[%dma_wait3A_88, %dma_wait3A_89, %dma_wait3A_90] : memref<5x128x64xf32, #tpu.memory_space<vmem>> -> memref<1x128x64xf32, #tpu.memory_space<vmem>>
      %dma_wait3A_92 = tpu.memref_squeeze %dma_wait3A_91 : memref<1x128x64xf32, #tpu.memory_space<vmem>> -> memref<128x64xf32, #tpu.memory_space<vmem>>
      %dma_wait3A_93 = arith.constant 0 : i32
      %dma_wait3A_94 = tpu.memref_slice %arg4[%add3A_74, %dma_wait3A_93] : memref<102400x64xf32, #tpu.memory_space<hbm>> -> memref<128x64xf32, #tpu.memory_space<hbm>>
      %dma_wait3A_95 = arith.constant 0 : i32
      %dma_wait3A_96 = tpu.memref_slice %arg4[%add3A_74, %dma_wait3A_95] : memref<102400x64xf32, #tpu.memory_space<hbm>> -> memref<128x64xf32, #tpu.memory_space<hbm>>
      %dma_wait3A_97 = arith.constant 0 : i32
      %dma_wait3A_98 = arith.constant 0 : i32
      %dma_wait3A_99 = tpu.memref_slice %arg6[%dma_wait3A_88, %dma_wait3A_97, %dma_wait3A_98] : memref<5x128x64xf32, #tpu.memory_space<vmem>> -> memref<1x128x64xf32, #tpu.memory_space<vmem>>
      %dma_wait3A_100 = tpu.memref_squeeze %dma_wait3A_99 : memref<1x128x64xf32, #tpu.memory_space<vmem>> -> memref<128x64xf32, #tpu.memory_space<vmem>>
      tpu.wait_dma2 semaphore(%arg12 : memref<!tpu.dma_semaphore, #tpu.memory_space<semaphore_mem>>) src(%dma_wait3A_100 : memref<128x64xf32, #tpu.memory_space<vmem>>) dst(%dma_wait3A_96 : memref<128x64xf32, #tpu.memory_space<hbm>>)
      %add3A_101 = arith.constant 5 : i32
      %add3A_102 = arith.addi %add3A_61, %add3A_101 : i32
      %lt3A = arith.constant 25 : i32
      %lt3A_103 = arith.cmpi slt, %add3A_102, %lt3A : i32
      %convert_element_type3A = arith.extui %lt3A_103 : i1 to i32
      %cond3A = arith.constant 0 : i32
      %cond3A_104 = arith.cmpi ne, %convert_element_type3A, %cond3A : i32
      scf.if %cond3A_104 {
        %mul3A_309 = arith.constant 128 : i32
        %mul3A_310 = arith.muli %add3A_102, %mul3A_309 : i32
        %dma_start3A_311 = arith.constant 0 : i32
        %dma_start3A_312 = arith.constant 0 : i32
        %dma_start3A_313 = arith.constant 0 : i32
        %dma_start3A_314 = tpu.memref_slice %arg6[%dma_start3A_311, %dma_start3A_312, %dma_start3A_313] : memref<5x128x64xf32, #tpu.memory_space<vmem>> -> memref<1x128x64xf32, #tpu.memory_space<vmem>>
        %dma_start3A_315 = tpu.memref_squeeze %dma_start3A_314 : memref<1x128x64xf32, #tpu.memory_space<vmem>> -> memref<128x64xf32, #tpu.memory_space<vmem>>
        %dma_start3A_316 = tpu.memref_slice %arg5[%mul3A_310] : memref<3200xi32, #tpu.memory_space<vmem>> -> memref<128xi32, #tpu.memory_space<vmem>>
        %dma_start3A_317 = arith.constant 0 : i32
        %dma_start3A_318 = arith.constant 0 : i32
        %dma_start3A_319 = tpu.memref_slice %arg3[%dma_start3A_317, %dma_start3A_318] : memref<100000x64xf32, #tpu.memory_space<hbm>> -> memref<100000x64xf32, #tpu.memory_space<hbm>>
        tpu.enqueue_indirect_dma source(%dma_start3A_319 : memref<100000x64xf32, #tpu.memory_space<hbm>>) target(%dma_start3A_315 : memref<128x64xf32, #tpu.memory_space<vmem>>) offsets(%dma_start3A_316 : memref<128xi32, #tpu.memory_space<vmem>>) semaphore(%arg7 : memref<!tpu.dma_semaphore, #tpu.memory_space<semaphore_mem>>)
      } else {
      }
      %mul3A_105 = arith.constant 5 : i32
      %mul3A_106 = arith.muli %scan3A_57, %mul3A_105 : i32
      %add3A_107 = arith.constant 1 : i32
      %add3A_108 = arith.addi %mul3A_106, %add3A_107 : i32
      %mul3A_109 = arith.constant 128 : i32
      %mul3A_110 = arith.muli %add3A_108, %mul3A_109 : i32
      %dma_wait3A_111 = arith.constant 1 : i32
      %dma_wait3A_112 = arith.constant 0 : i32
      %dma_wait3A_113 = arith.constant 0 : i32
      %dma_wait3A_114 = tpu.memref_slice %arg6[%dma_wait3A_111, %dma_wait3A_112, %dma_wait3A_113] : memref<5x128x64xf32, #tpu.memory_space<vmem>> -> memref<1x128x64xf32, #tpu.memory_space<vmem>>
      %dma_wait3A_115 = tpu.memref_squeeze %dma_wait3A_114 : memref<1x128x64xf32, #tpu.memory_space<vmem>> -> memref<128x64xf32, #tpu.memory_space<vmem>>
      %dma_wait3A_116 = tpu.memref_slice %arg5[%mul3A_110] : memref<3200xi32, #tpu.memory_space<vmem>> -> memref<128xi32, #tpu.memory_space<vmem>>
      %dma_wait3A_117 = arith.constant 0 : i32
      %dma_wait3A_118 = arith.constant 0 : i32
      %dma_wait3A_119 = tpu.memref_slice %arg3[%dma_wait3A_117, %dma_wait3A_118] : memref<100000x64xf32, #tpu.memory_space<hbm>> -> memref<100000x64xf32, #tpu.memory_space<hbm>>
      tpu.wait_indirect_dma semaphore(%arg8 : memref<!tpu.dma_semaphore, #tpu.memory_space<semaphore_mem>>) src(%dma_wait3A_119 : memref<100000x64xf32, #tpu.memory_space<hbm>>) dst(%dma_wait3A_115 : memref<128x64xf32, #tpu.memory_space<vmem>>)
      %mul3A_120 = arith.constant 128 : i32
      %mul3A_121 = arith.muli %add3A_108, %mul3A_120 : i32
      %add3A_122 = arith.addi %mul3A_2, %mul3A_121 : i32
      %dma_start3A_123 = arith.constant 1 : i32
      %dma_start3A_124 = arith.constant 0 : i32
      %dma_start3A_125 = arith.constant 0 : i32
      %dma_start3A_126 = tpu.memref_slice %arg6[%dma_start3A_123, %dma_start3A_124, %dma_start3A_125] : memref<5x128x64xf32, #tpu.memory_space<vmem>> -> memref<1x128x64xf32, #tpu.memory_space<vmem>>
      %dma_start3A_127 = tpu.memref_squeeze %dma_start3A_126 : memref<1x128x64xf32, #tpu.memory_space<vmem>> -> memref<128x64xf32, #tpu.memory_space<vmem>>
      %dma_start3A_128 = arith.constant 0 : i32
      %dma_start3A_129 = tpu.memref_slice %arg4[%add3A_122, %dma_start3A_128] : memref<102400x64xf32, #tpu.memory_space<hbm>> -> memref<128x64xf32, #tpu.memory_space<hbm>>
      %dma_start3A_130 = arith.constant 0 : i32
      %dma_start3A_131 = tpu.memref_slice %arg4[%add3A_122, %dma_start3A_130] : memref<102400x64xf32, #tpu.memory_space<hbm>> -> memref<128x64xf32, #tpu.memory_space<hbm>>
      %dma_start3A_132 = arith.constant 0 : i32
      %dma_start3A_133 = arith.constant 0 : i32
      %dma_start3A_134 = tpu.memref_slice %arg6[%dma_start3A_123, %dma_start3A_132, %dma_start3A_133] : memref<5x128x64xf32, #tpu.memory_space<vmem>> -> memref<1x128x64xf32, #tpu.memory_space<vmem>>
      %dma_start3A_135 = tpu.memref_squeeze %dma_start3A_134 : memref<1x128x64xf32, #tpu.memory_space<vmem>> -> memref<128x64xf32, #tpu.memory_space<vmem>>
      tpu.enqueue_dma source(%dma_start3A_135 : memref<128x64xf32, #tpu.memory_space<vmem>>) target(%dma_start3A_131 : memref<128x64xf32, #tpu.memory_space<hbm>>) target_semaphore(%arg12 : memref<!tpu.dma_semaphore, #tpu.memory_space<semaphore_mem>>)
      %dma_wait3A_136 = arith.constant 1 : i32
      %dma_wait3A_137 = arith.constant 0 : i32
      %dma_wait3A_138 = arith.constant 0 : i32
      %dma_wait3A_139 = tpu.memref_slice %arg6[%dma_wait3A_136, %dma_wait3A_137, %dma_wait3A_138] : memref<5x128x64xf32, #tpu.memory_space<vmem>> -> memref<1x128x64xf32, #tpu.memory_space<vmem>>
      %dma_wait3A_140 = tpu.memref_squeeze %dma_wait3A_139 : memref<1x128x64xf32, #tpu.memory_space<vmem>> -> memref<128x64xf32, #tpu.memory_space<vmem>>
      %dma_wait3A_141 = arith.constant 0 : i32
      %dma_wait3A_142 = tpu.memref_slice %arg4[%add3A_122, %dma_wait3A_141] : memref<102400x64xf32, #tpu.memory_space<hbm>> -> memref<128x64xf32, #tpu.memory_space<hbm>>
      %dma_wait3A_143 = arith.constant 0 : i32
      %dma_wait3A_144 = tpu.memref_slice %arg4[%add3A_122, %dma_wait3A_143] : memref<102400x64xf32, #tpu.memory_space<hbm>> -> memref<128x64xf32, #tpu.memory_space<hbm>>
      %dma_wait3A_145 = arith.constant 0 : i32
      %dma_wait3A_146 = arith.constant 0 : i32
      %dma_wait3A_147 = tpu.memref_slice %arg6[%dma_wait3A_136, %dma_wait3A_145, %dma_wait3A_146] : memref<5x128x64xf32, #tpu.memory_space<vmem>> -> memref<1x128x64xf32, #tpu.memory_space<vmem>>
      %dma_wait3A_148 = tpu.memref_squeeze %dma_wait3A_147 : memref<1x128x64xf32, #tpu.memory_space<vmem>> -> memref<128x64xf32, #tpu.memory_space<vmem>>
      tpu.wait_dma2 semaphore(%arg12 : memref<!tpu.dma_semaphore, #tpu.memory_space<semaphore_mem>>) src(%dma_wait3A_148 : memref<128x64xf32, #tpu.memory_space<vmem>>) dst(%dma_wait3A_144 : memref<128x64xf32, #tpu.memory_space<hbm>>)
      %add3A_149 = arith.constant 5 : i32
      %add3A_150 = arith.addi %add3A_108, %add3A_149 : i32
      %lt3A_151 = arith.constant 25 : i32
      %lt3A_152 = arith.cmpi slt, %add3A_150, %lt3A_151 : i32
      %convert_element_type3A_153 = arith.extui %lt3A_152 : i1 to i32
      %cond3A_154 = arith.constant 0 : i32
      %cond3A_155 = arith.cmpi ne, %convert_element_type3A_153, %cond3A_154 : i32
      scf.if %cond3A_155 {
        %mul3A_309 = arith.constant 128 : i32
        %mul3A_310 = arith.muli %add3A_150, %mul3A_309 : i32
        %dma_start3A_311 = arith.constant 1 : i32
        %dma_start3A_312 = arith.constant 0 : i32
        %dma_start3A_313 = arith.constant 0 : i32
        %dma_start3A_314 = tpu.memref_slice %arg6[%dma_start3A_311, %dma_start3A_312, %dma_start3A_313] : memref<5x128x64xf32, #tpu.memory_space<vmem>> -> memref<1x128x64xf32, #tpu.memory_space<vmem>>
        %dma_start3A_315 = tpu.memref_squeeze %dma_start3A_314 : memref<1x128x64xf32, #tpu.memory_space<vmem>> -> memref<128x64xf32, #tpu.memory_space<vmem>>
        %dma_start3A_316 = tpu.memref_slice %arg5[%mul3A_310] : memref<3200xi32, #tpu.memory_space<vmem>> -> memref<128xi32, #tpu.memory_space<vmem>>
        %dma_start3A_317 = arith.constant 0 : i32
        %dma_start3A_318 = arith.constant 0 : i32
        %dma_start3A_319 = tpu.memref_slice %arg3[%dma_start3A_317, %dma_start3A_318] : memref<100000x64xf32, #tpu.memory_space<hbm>> -> memref<100000x64xf32, #tpu.memory_space<hbm>>
        tpu.enqueue_indirect_dma source(%dma_start3A_319 : memref<100000x64xf32, #tpu.memory_space<hbm>>) target(%dma_start3A_315 : memref<128x64xf32, #tpu.memory_space<vmem>>) offsets(%dma_start3A_316 : memref<128xi32, #tpu.memory_space<vmem>>) semaphore(%arg8 : memref<!tpu.dma_semaphore, #tpu.memory_space<semaphore_mem>>)
      } else {
      }
      %mul3A_156 = arith.constant 5 : i32
      %mul3A_157 = arith.muli %scan3A_57, %mul3A_156 : i32
      %add3A_158 = arith.constant 2 : i32
      %add3A_159 = arith.addi %mul3A_157, %add3A_158 : i32
      %mul3A_160 = arith.constant 128 : i32
      %mul3A_161 = arith.muli %add3A_159, %mul3A_160 : i32
      %dma_wait3A_162 = arith.constant 2 : i32
      %dma_wait3A_163 = arith.constant 0 : i32
      %dma_wait3A_164 = arith.constant 0 : i32
      %dma_wait3A_165 = tpu.memref_slice %arg6[%dma_wait3A_162, %dma_wait3A_163, %dma_wait3A_164] : memref<5x128x64xf32, #tpu.memory_space<vmem>> -> memref<1x128x64xf32, #tpu.memory_space<vmem>>
      %dma_wait3A_166 = tpu.memref_squeeze %dma_wait3A_165 : memref<1x128x64xf32, #tpu.memory_space<vmem>> -> memref<128x64xf32, #tpu.memory_space<vmem>>
      %dma_wait3A_167 = tpu.memref_slice %arg5[%mul3A_161] : memref<3200xi32, #tpu.memory_space<vmem>> -> memref<128xi32, #tpu.memory_space<vmem>>
      %dma_wait3A_168 = arith.constant 0 : i32
      %dma_wait3A_169 = arith.constant 0 : i32
      %dma_wait3A_170 = tpu.memref_slice %arg3[%dma_wait3A_168, %dma_wait3A_169] : memref<100000x64xf32, #tpu.memory_space<hbm>> -> memref<100000x64xf32, #tpu.memory_space<hbm>>
      tpu.wait_indirect_dma semaphore(%arg9 : memref<!tpu.dma_semaphore, #tpu.memory_space<semaphore_mem>>) src(%dma_wait3A_170 : memref<100000x64xf32, #tpu.memory_space<hbm>>) dst(%dma_wait3A_166 : memref<128x64xf32, #tpu.memory_space<vmem>>)
      %mul3A_171 = arith.constant 128 : i32
      %mul3A_172 = arith.muli %add3A_159, %mul3A_171 : i32
      %add3A_173 = arith.addi %mul3A_2, %mul3A_172 : i32
      %dma_start3A_174 = arith.constant 2 : i32
      %dma_start3A_175 = arith.constant 0 : i32
      %dma_start3A_176 = arith.constant 0 : i32
      %dma_start3A_177 = tpu.memref_slice %arg6[%dma_start3A_174, %dma_start3A_175, %dma_start3A_176] : memref<5x128x64xf32, #tpu.memory_space<vmem>> -> memref<1x128x64xf32, #tpu.memory_space<vmem>>
      %dma_start3A_178 = tpu.memref_squeeze %dma_start3A_177 : memref<1x128x64xf32, #tpu.memory_space<vmem>> -> memref<128x64xf32, #tpu.memory_space<vmem>>
      %dma_start3A_179 = arith.constant 0 : i32
      %dma_start3A_180 = tpu.memref_slice %arg4[%add3A_173, %dma_start3A_179] : memref<102400x64xf32, #tpu.memory_space<hbm>> -> memref<128x64xf32, #tpu.memory_space<hbm>>
      %dma_start3A_181 = arith.constant 0 : i32
      %dma_start3A_182 = tpu.memref_slice %arg4[%add3A_173, %dma_start3A_181] : memref<102400x64xf32, #tpu.memory_space<hbm>> -> memref<128x64xf32, #tpu.memory_space<hbm>>
      %dma_start3A_183 = arith.constant 0 : i32
      %dma_start3A_184 = arith.constant 0 : i32
      %dma_start3A_185 = tpu.memref_slice %arg6[%dma_start3A_174, %dma_start3A_183, %dma_start3A_184] : memref<5x128x64xf32, #tpu.memory_space<vmem>> -> memref<1x128x64xf32, #tpu.memory_space<vmem>>
      %dma_start3A_186 = tpu.memref_squeeze %dma_start3A_185 : memref<1x128x64xf32, #tpu.memory_space<vmem>> -> memref<128x64xf32, #tpu.memory_space<vmem>>
      tpu.enqueue_dma source(%dma_start3A_186 : memref<128x64xf32, #tpu.memory_space<vmem>>) target(%dma_start3A_182 : memref<128x64xf32, #tpu.memory_space<hbm>>) target_semaphore(%arg12 : memref<!tpu.dma_semaphore, #tpu.memory_space<semaphore_mem>>)
      %dma_wait3A_187 = arith.constant 2 : i32
      %dma_wait3A_188 = arith.constant 0 : i32
      %dma_wait3A_189 = arith.constant 0 : i32
      %dma_wait3A_190 = tpu.memref_slice %arg6[%dma_wait3A_187, %dma_wait3A_188, %dma_wait3A_189] : memref<5x128x64xf32, #tpu.memory_space<vmem>> -> memref<1x128x64xf32, #tpu.memory_space<vmem>>
      %dma_wait3A_191 = tpu.memref_squeeze %dma_wait3A_190 : memref<1x128x64xf32, #tpu.memory_space<vmem>> -> memref<128x64xf32, #tpu.memory_space<vmem>>
      %dma_wait3A_192 = arith.constant 0 : i32
      %dma_wait3A_193 = tpu.memref_slice %arg4[%add3A_173, %dma_wait3A_192] : memref<102400x64xf32, #tpu.memory_space<hbm>> -> memref<128x64xf32, #tpu.memory_space<hbm>>
      %dma_wait3A_194 = arith.constant 0 : i32
      %dma_wait3A_195 = tpu.memref_slice %arg4[%add3A_173, %dma_wait3A_194] : memref<102400x64xf32, #tpu.memory_space<hbm>> -> memref<128x64xf32, #tpu.memory_space<hbm>>
      %dma_wait3A_196 = arith.constant 0 : i32
      %dma_wait3A_197 = arith.constant 0 : i32
      %dma_wait3A_198 = tpu.memref_slice %arg6[%dma_wait3A_187, %dma_wait3A_196, %dma_wait3A_197] : memref<5x128x64xf32, #tpu.memory_space<vmem>> -> memref<1x128x64xf32, #tpu.memory_space<vmem>>
      %dma_wait3A_199 = tpu.memref_squeeze %dma_wait3A_198 : memref<1x128x64xf32, #tpu.memory_space<vmem>> -> memref<128x64xf32, #tpu.memory_space<vmem>>
      tpu.wait_dma2 semaphore(%arg12 : memref<!tpu.dma_semaphore, #tpu.memory_space<semaphore_mem>>) src(%dma_wait3A_199 : memref<128x64xf32, #tpu.memory_space<vmem>>) dst(%dma_wait3A_195 : memref<128x64xf32, #tpu.memory_space<hbm>>)
      %add3A_200 = arith.constant 5 : i32
      %add3A_201 = arith.addi %add3A_159, %add3A_200 : i32
      %lt3A_202 = arith.constant 25 : i32
      %lt3A_203 = arith.cmpi slt, %add3A_201, %lt3A_202 : i32
      %convert_element_type3A_204 = arith.extui %lt3A_203 : i1 to i32
      %cond3A_205 = arith.constant 0 : i32
      %cond3A_206 = arith.cmpi ne, %convert_element_type3A_204, %cond3A_205 : i32
      scf.if %cond3A_206 {
        %mul3A_309 = arith.constant 128 : i32
        %mul3A_310 = arith.muli %add3A_201, %mul3A_309 : i32
        %dma_start3A_311 = arith.constant 2 : i32
        %dma_start3A_312 = arith.constant 0 : i32
        %dma_start3A_313 = arith.constant 0 : i32
        %dma_start3A_314 = tpu.memref_slice %arg6[%dma_start3A_311, %dma_start3A_312, %dma_start3A_313] : memref<5x128x64xf32, #tpu.memory_space<vmem>> -> memref<1x128x64xf32, #tpu.memory_space<vmem>>
        %dma_start3A_315 = tpu.memref_squeeze %dma_start3A_314 : memref<1x128x64xf32, #tpu.memory_space<vmem>> -> memref<128x64xf32, #tpu.memory_space<vmem>>
        %dma_start3A_316 = tpu.memref_slice %arg5[%mul3A_310] : memref<3200xi32, #tpu.memory_space<vmem>> -> memref<128xi32, #tpu.memory_space<vmem>>
        %dma_start3A_317 = arith.constant 0 : i32
        %dma_start3A_318 = arith.constant 0 : i32
        %dma_start3A_319 = tpu.memref_slice %arg3[%dma_start3A_317, %dma_start3A_318] : memref<100000x64xf32, #tpu.memory_space<hbm>> -> memref<100000x64xf32, #tpu.memory_space<hbm>>
        tpu.enqueue_indirect_dma source(%dma_start3A_319 : memref<100000x64xf32, #tpu.memory_space<hbm>>) target(%dma_start3A_315 : memref<128x64xf32, #tpu.memory_space<vmem>>) offsets(%dma_start3A_316 : memref<128xi32, #tpu.memory_space<vmem>>) semaphore(%arg9 : memref<!tpu.dma_semaphore, #tpu.memory_space<semaphore_mem>>)
      } else {
      }
      %mul3A_207 = arith.constant 5 : i32
      %mul3A_208 = arith.muli %scan3A_57, %mul3A_207 : i32
      %add3A_209 = arith.constant 3 : i32
      %add3A_210 = arith.addi %mul3A_208, %add3A_209 : i32
      %mul3A_211 = arith.constant 128 : i32
      %mul3A_212 = arith.muli %add3A_210, %mul3A_211 : i32
      %dma_wait3A_213 = arith.constant 3 : i32
      %dma_wait3A_214 = arith.constant 0 : i32
      %dma_wait3A_215 = arith.constant 0 : i32
      %dma_wait3A_216 = tpu.memref_slice %arg6[%dma_wait3A_213, %dma_wait3A_214, %dma_wait3A_215] : memref<5x128x64xf32, #tpu.memory_space<vmem>> -> memref<1x128x64xf32, #tpu.memory_space<vmem>>
      %dma_wait3A_217 = tpu.memref_squeeze %dma_wait3A_216 : memref<1x128x64xf32, #tpu.memory_space<vmem>> -> memref<128x64xf32, #tpu.memory_space<vmem>>
      %dma_wait3A_218 = tpu.memref_slice %arg5[%mul3A_212] : memref<3200xi32, #tpu.memory_space<vmem>> -> memref<128xi32, #tpu.memory_space<vmem>>
      %dma_wait3A_219 = arith.constant 0 : i32
      %dma_wait3A_220 = arith.constant 0 : i32
      %dma_wait3A_221 = tpu.memref_slice %arg3[%dma_wait3A_219, %dma_wait3A_220] : memref<100000x64xf32, #tpu.memory_space<hbm>> -> memref<100000x64xf32, #tpu.memory_space<hbm>>
      tpu.wait_indirect_dma semaphore(%arg10 : memref<!tpu.dma_semaphore, #tpu.memory_space<semaphore_mem>>) src(%dma_wait3A_221 : memref<100000x64xf32, #tpu.memory_space<hbm>>) dst(%dma_wait3A_217 : memref<128x64xf32, #tpu.memory_space<vmem>>)
      %mul3A_222 = arith.constant 128 : i32
      %mul3A_223 = arith.muli %add3A_210, %mul3A_222 : i32
      %add3A_224 = arith.addi %mul3A_2, %mul3A_223 : i32
      %dma_start3A_225 = arith.constant 3 : i32
      %dma_start3A_226 = arith.constant 0 : i32
      %dma_start3A_227 = arith.constant 0 : i32
      %dma_start3A_228 = tpu.memref_slice %arg6[%dma_start3A_225, %dma_start3A_226, %dma_start3A_227] : memref<5x128x64xf32, #tpu.memory_space<vmem>> -> memref<1x128x64xf32, #tpu.memory_space<vmem>>
      %dma_start3A_229 = tpu.memref_squeeze %dma_start3A_228 : memref<1x128x64xf32, #tpu.memory_space<vmem>> -> memref<128x64xf32, #tpu.memory_space<vmem>>
      %dma_start3A_230 = arith.constant 0 : i32
      %dma_start3A_231 = tpu.memref_slice %arg4[%add3A_224, %dma_start3A_230] : memref<102400x64xf32, #tpu.memory_space<hbm>> -> memref<128x64xf32, #tpu.memory_space<hbm>>
      %dma_start3A_232 = arith.constant 0 : i32
      %dma_start3A_233 = tpu.memref_slice %arg4[%add3A_224, %dma_start3A_232] : memref<102400x64xf32, #tpu.memory_space<hbm>> -> memref<128x64xf32, #tpu.memory_space<hbm>>
      %dma_start3A_234 = arith.constant 0 : i32
      %dma_start3A_235 = arith.constant 0 : i32
      %dma_start3A_236 = tpu.memref_slice %arg6[%dma_start3A_225, %dma_start3A_234, %dma_start3A_235] : memref<5x128x64xf32, #tpu.memory_space<vmem>> -> memref<1x128x64xf32, #tpu.memory_space<vmem>>
      %dma_start3A_237 = tpu.memref_squeeze %dma_start3A_236 : memref<1x128x64xf32, #tpu.memory_space<vmem>> -> memref<128x64xf32, #tpu.memory_space<vmem>>
      tpu.enqueue_dma source(%dma_start3A_237 : memref<128x64xf32, #tpu.memory_space<vmem>>) target(%dma_start3A_233 : memref<128x64xf32, #tpu.memory_space<hbm>>) target_semaphore(%arg12 : memref<!tpu.dma_semaphore, #tpu.memory_space<semaphore_mem>>)
      %dma_wait3A_238 = arith.constant 3 : i32
      %dma_wait3A_239 = arith.constant 0 : i32
      %dma_wait3A_240 = arith.constant 0 : i32
      %dma_wait3A_241 = tpu.memref_slice %arg6[%dma_wait3A_238, %dma_wait3A_239, %dma_wait3A_240] : memref<5x128x64xf32, #tpu.memory_space<vmem>> -> memref<1x128x64xf32, #tpu.memory_space<vmem>>
      %dma_wait3A_242 = tpu.memref_squeeze %dma_wait3A_241 : memref<1x128x64xf32, #tpu.memory_space<vmem>> -> memref<128x64xf32, #tpu.memory_space<vmem>>
      %dma_wait3A_243 = arith.constant 0 : i32
      %dma_wait3A_244 = tpu.memref_slice %arg4[%add3A_224, %dma_wait3A_243] : memref<102400x64xf32, #tpu.memory_space<hbm>> -> memref<128x64xf32, #tpu.memory_space<hbm>>
      %dma_wait3A_245 = arith.constant 0 : i32
      %dma_wait3A_246 = tpu.memref_slice %arg4[%add3A_224, %dma_wait3A_245] : memref<102400x64xf32, #tpu.memory_space<hbm>> -> memref<128x64xf32, #tpu.memory_space<hbm>>
      %dma_wait3A_247 = arith.constant 0 : i32
      %dma_wait3A_248 = arith.constant 0 : i32
      %dma_wait3A_249 = tpu.memref_slice %arg6[%dma_wait3A_238, %dma_wait3A_247, %dma_wait3A_248] : memref<5x128x64xf32, #tpu.memory_space<vmem>> -> memref<1x128x64xf32, #tpu.memory_space<vmem>>
      %dma_wait3A_250 = tpu.memref_squeeze %dma_wait3A_249 : memref<1x128x64xf32, #tpu.memory_space<vmem>> -> memref<128x64xf32, #tpu.memory_space<vmem>>
      tpu.wait_dma2 semaphore(%arg12 : memref<!tpu.dma_semaphore, #tpu.memory_space<semaphore_mem>>) src(%dma_wait3A_250 : memref<128x64xf32, #tpu.memory_space<vmem>>) dst(%dma_wait3A_246 : memref<128x64xf32, #tpu.memory_space<hbm>>)
      %add3A_251 = arith.constant 5 : i32
      %add3A_252 = arith.addi %add3A_210, %add3A_251 : i32
      %lt3A_253 = arith.constant 25 : i32
      %lt3A_254 = arith.cmpi slt, %add3A_252, %lt3A_253 : i32
      %convert_element_type3A_255 = arith.extui %lt3A_254 : i1 to i32
      %cond3A_256 = arith.constant 0 : i32
      %cond3A_257 = arith.cmpi ne, %convert_element_type3A_255, %cond3A_256 : i32
      scf.if %cond3A_257 {
        %mul3A_309 = arith.constant 128 : i32
        %mul3A_310 = arith.muli %add3A_252, %mul3A_309 : i32
        %dma_start3A_311 = arith.constant 3 : i32
        %dma_start3A_312 = arith.constant 0 : i32
        %dma_start3A_313 = arith.constant 0 : i32
        %dma_start3A_314 = tpu.memref_slice %arg6[%dma_start3A_311, %dma_start3A_312, %dma_start3A_313] : memref<5x128x64xf32, #tpu.memory_space<vmem>> -> memref<1x128x64xf32, #tpu.memory_space<vmem>>
        %dma_start3A_315 = tpu.memref_squeeze %dma_start3A_314 : memref<1x128x64xf32, #tpu.memory_space<vmem>> -> memref<128x64xf32, #tpu.memory_space<vmem>>
        %dma_start3A_316 = tpu.memref_slice %arg5[%mul3A_310] : memref<3200xi32, #tpu.memory_space<vmem>> -> memref<128xi32, #tpu.memory_space<vmem>>
        %dma_start3A_317 = arith.constant 0 : i32
        %dma_start3A_318 = arith.constant 0 : i32
        %dma_start3A_319 = tpu.memref_slice %arg3[%dma_start3A_317, %dma_start3A_318] : memref<100000x64xf32, #tpu.memory_space<hbm>> -> memref<100000x64xf32, #tpu.memory_space<hbm>>
        tpu.enqueue_indirect_dma source(%dma_start3A_319 : memref<100000x64xf32, #tpu.memory_space<hbm>>) target(%dma_start3A_315 : memref<128x64xf32, #tpu.memory_space<vmem>>) offsets(%dma_start3A_316 : memref<128xi32, #tpu.memory_space<vmem>>) semaphore(%arg10 : memref<!tpu.dma_semaphore, #tpu.memory_space<semaphore_mem>>)
      } else {
      }
      %mul3A_258 = arith.constant 5 : i32
      %mul3A_259 = arith.muli %scan3A_57, %mul3A_258 : i32
      %add3A_260 = arith.constant 4 : i32
      %add3A_261 = arith.addi %mul3A_259, %add3A_260 : i32
      %mul3A_262 = arith.constant 128 : i32
      %mul3A_263 = arith.muli %add3A_261, %mul3A_262 : i32
      %dma_wait3A_264 = arith.constant 4 : i32
      %dma_wait3A_265 = arith.constant 0 : i32
      %dma_wait3A_266 = arith.constant 0 : i32
      %dma_wait3A_267 = tpu.memref_slice %arg6[%dma_wait3A_264, %dma_wait3A_265, %dma_wait3A_266] : memref<5x128x64xf32, #tpu.memory_space<vmem>> -> memref<1x128x64xf32, #tpu.memory_space<vmem>>
      %dma_wait3A_268 = tpu.memref_squeeze %dma_wait3A_267 : memref<1x128x64xf32, #tpu.memory_space<vmem>> -> memref<128x64xf32, #tpu.memory_space<vmem>>
      %dma_wait3A_269 = tpu.memref_slice %arg5[%mul3A_263] : memref<3200xi32, #tpu.memory_space<vmem>> -> memref<128xi32, #tpu.memory_space<vmem>>
      %dma_wait3A_270 = arith.constant 0 : i32
      %dma_wait3A_271 = arith.constant 0 : i32
      %dma_wait3A_272 = tpu.memref_slice %arg3[%dma_wait3A_270, %dma_wait3A_271] : memref<100000x64xf32, #tpu.memory_space<hbm>> -> memref<100000x64xf32, #tpu.memory_space<hbm>>
      tpu.wait_indirect_dma semaphore(%arg11 : memref<!tpu.dma_semaphore, #tpu.memory_space<semaphore_mem>>) src(%dma_wait3A_272 : memref<100000x64xf32, #tpu.memory_space<hbm>>) dst(%dma_wait3A_268 : memref<128x64xf32, #tpu.memory_space<vmem>>)
      %mul3A_273 = arith.constant 128 : i32
      %mul3A_274 = arith.muli %add3A_261, %mul3A_273 : i32
      %add3A_275 = arith.addi %mul3A_2, %mul3A_274 : i32
      %dma_start3A_276 = arith.constant 4 : i32
      %dma_start3A_277 = arith.constant 0 : i32
      %dma_start3A_278 = arith.constant 0 : i32
      %dma_start3A_279 = tpu.memref_slice %arg6[%dma_start3A_276, %dma_start3A_277, %dma_start3A_278] : memref<5x128x64xf32, #tpu.memory_space<vmem>> -> memref<1x128x64xf32, #tpu.memory_space<vmem>>
      %dma_start3A_280 = tpu.memref_squeeze %dma_start3A_279 : memref<1x128x64xf32, #tpu.memory_space<vmem>> -> memref<128x64xf32, #tpu.memory_space<vmem>>
      %dma_start3A_281 = arith.constant 0 : i32
      %dma_start3A_282 = tpu.memref_slice %arg4[%add3A_275, %dma_start3A_281] : memref<102400x64xf32, #tpu.memory_space<hbm>> -> memref<128x64xf32, #tpu.memory_space<hbm>>
      %dma_start3A_283 = arith.constant 0 : i32
      %dma_start3A_284 = tpu.memref_slice %arg4[%add3A_275, %dma_start3A_283] : memref<102400x64xf32, #tpu.memory_space<hbm>> -> memref<128x64xf32, #tpu.memory_space<hbm>>
      %dma_start3A_285 = arith.constant 0 : i32
      %dma_start3A_286 = arith.constant 0 : i32
      %dma_start3A_287 = tpu.memref_slice %arg6[%dma_start3A_276, %dma_start3A_285, %dma_start3A_286] : memref<5x128x64xf32, #tpu.memory_space<vmem>> -> memref<1x128x64xf32, #tpu.memory_space<vmem>>
      %dma_start3A_288 = tpu.memref_squeeze %dma_start3A_287 : memref<1x128x64xf32, #tpu.memory_space<vmem>> -> memref<128x64xf32, #tpu.memory_space<vmem>>
      tpu.enqueue_dma source(%dma_start3A_288 : memref<128x64xf32, #tpu.memory_space<vmem>>) target(%dma_start3A_284 : memref<128x64xf32, #tpu.memory_space<hbm>>) target_semaphore(%arg12 : memref<!tpu.dma_semaphore, #tpu.memory_space<semaphore_mem>>)
      %dma_wait3A_289 = arith.constant 4 : i32
      %dma_wait3A_290 = arith.constant 0 : i32
      %dma_wait3A_291 = arith.constant 0 : i32
      %dma_wait3A_292 = tpu.memref_slice %arg6[%dma_wait3A_289, %dma_wait3A_290, %dma_wait3A_291] : memref<5x128x64xf32, #tpu.memory_space<vmem>> -> memref<1x128x64xf32, #tpu.memory_space<vmem>>
      %dma_wait3A_293 = tpu.memref_squeeze %dma_wait3A_292 : memref<1x128x64xf32, #tpu.memory_space<vmem>> -> memref<128x64xf32, #tpu.memory_space<vmem>>
      %dma_wait3A_294 = arith.constant 0 : i32
      %dma_wait3A_295 = tpu.memref_slice %arg4[%add3A_275, %dma_wait3A_294] : memref<102400x64xf32, #tpu.memory_space<hbm>> -> memref<128x64xf32, #tpu.memory_space<hbm>>
      %dma_wait3A_296 = arith.constant 0 : i32
      %dma_wait3A_297 = tpu.memref_slice %arg4[%add3A_275, %dma_wait3A_296] : memref<102400x64xf32, #tpu.memory_space<hbm>> -> memref<128x64xf32, #tpu.memory_space<hbm>>
      %dma_wait3A_298 = arith.constant 0 : i32
      %dma_wait3A_299 = arith.constant 0 : i32
      %dma_wait3A_300 = tpu.memref_slice %arg6[%dma_wait3A_289, %dma_wait3A_298, %dma_wait3A_299] : memref<5x128x64xf32, #tpu.memory_space<vmem>> -> memref<1x128x64xf32, #tpu.memory_space<vmem>>
      %dma_wait3A_301 = tpu.memref_squeeze %dma_wait3A_300 : memref<1x128x64xf32, #tpu.memory_space<vmem>> -> memref<128x64xf32, #tpu.memory_space<vmem>>
      tpu.wait_dma2 semaphore(%arg12 : memref<!tpu.dma_semaphore, #tpu.memory_space<semaphore_mem>>) src(%dma_wait3A_301 : memref<128x64xf32, #tpu.memory_space<vmem>>) dst(%dma_wait3A_297 : memref<128x64xf32, #tpu.memory_space<hbm>>)
      %add3A_302 = arith.constant 5 : i32
      %add3A_303 = arith.addi %add3A_261, %add3A_302 : i32
      %lt3A_304 = arith.constant 25 : i32
      %lt3A_305 = arith.cmpi slt, %add3A_303, %lt3A_304 : i32
      %convert_element_type3A_306 = arith.extui %lt3A_305 : i1 to i32
      %cond3A_307 = arith.constant 0 : i32
      %cond3A_308 = arith.cmpi ne, %convert_element_type3A_306, %cond3A_307 : i32
      scf.if %cond3A_308 {
        %mul3A_309 = arith.constant 128 : i32
        %mul3A_310 = arith.muli %add3A_303, %mul3A_309 : i32
        %dma_start3A_311 = arith.constant 4 : i32
        %dma_start3A_312 = arith.constant 0 : i32
        %dma_start3A_313 = arith.constant 0 : i32
        %dma_start3A_314 = tpu.memref_slice %arg6[%dma_start3A_311, %dma_start3A_312, %dma_start3A_313] : memref<5x128x64xf32, #tpu.memory_space<vmem>> -> memref<1x128x64xf32, #tpu.memory_space<vmem>>
        %dma_start3A_315 = tpu.memref_squeeze %dma_start3A_314 : memref<1x128x64xf32, #tpu.memory_space<vmem>> -> memref<128x64xf32, #tpu.memory_space<vmem>>
        %dma_start3A_316 = tpu.memref_slice %arg5[%mul3A_310] : memref<3200xi32, #tpu.memory_space<vmem>> -> memref<128xi32, #tpu.memory_space<vmem>>
        %dma_start3A_317 = arith.constant 0 : i32
        %dma_start3A_318 = arith.constant 0 : i32
        %dma_start3A_319 = tpu.memref_slice %arg3[%dma_start3A_317, %dma_start3A_318] : memref<100000x64xf32, #tpu.memory_space<hbm>> -> memref<100000x64xf32, #tpu.memory_space<hbm>>
        tpu.enqueue_indirect_dma source(%dma_start3A_319 : memref<100000x64xf32, #tpu.memory_space<hbm>>) target(%dma_start3A_315 : memref<128x64xf32, #tpu.memory_space<vmem>>) offsets(%dma_start3A_316 : memref<128xi32, #tpu.memory_space<vmem>>) semaphore(%arg11 : memref<!tpu.dma_semaphore, #tpu.memory_space<semaphore_mem>>)
      } else {
      }
    }
    %scan3A_56 = arith.constant 5 : i32
    return
  }
}

module attributes {stable_mosaic.version = 14 : i64} {
  func.func @_tc_body(%arg0: i32, %arg1: memref<5120x128xf32, #tpu.memory_space<vmem>>, %arg2: memref<4x10x64x1024xf32, #tpu.memory_space<vmem>>) attributes {dimension_semantics = [#tpu.dimension_semantics<arbitrary>], iteration_bounds = array<i64: 10>, scalar_prefetch = 0 : i64, scratch_operands = 0 : i64, tpu.core_type = #tpu.core_type<tc>, window_params = [{transform_indices = @transform_0, window_bounds = array<i64: 5120, 128>}, {transform_indices = @transform_1, window_bounds = array<i64: 4, 10, 64, 1024>}]} {
    %get3A = arith.constant 0 : index
    %get3A_0 = arith.constant 0 : index
    %get3A_1 = vector.load %arg1[%get3A, %get3A_0] : memref<5120x128xf32, #tpu.memory_space<vmem>>, vector<512x128xf32>
    %slice3A = vector.extract_strided_slice %get3A_1 {offsets = [0, 0], sizes = [512, 64], strides = [1, 1]} : vector<512x128xf32> to vector<512x64xf32>
    %transpose3A = tpu.transpose %slice3A, [1, 0] : vector<512x64xf32> -> vector<64x512xf32>
    %slice3A_2 = vector.extract_strided_slice %get3A_1 {offsets = [0, 64], sizes = [512, 64], strides = [1, 1]} : vector<512x128xf32> to vector<512x64xf32>
    %transpose3A_3 = tpu.transpose %slice3A_2, [1, 0] : vector<512x64xf32> -> vector<64x512xf32>
    %broadcast_in_dim3A = vector.shape_cast %transpose3A : vector<64x512xf32> to vector<1x64x512xf32>
    %broadcast_in_dim3A_4 = vector.shape_cast %broadcast_in_dim3A : vector<1x64x512xf32> to vector<1x64x512xf32>
    %broadcast_in_dim3A_5 = vector.broadcast %broadcast_in_dim3A_4 : vector<1x64x512xf32> to vector<4x64x512xf32>
    %swap3A = arith.constant 0 : index
    %swap3A_6 = arith.constant 0 : index
    %swap3A_7 = arith.constant 0 : index
    %swap3A_8 = arith.constant 0 : index
    %swap3A_9 = vector.load %arg2[%swap3A, %swap3A_6, %swap3A_7, %swap3A_8] : memref<4x10x64x1024xf32, #tpu.memory_space<vmem>>, vector<4x1x64x512xf32>
    %swap3A_10 = vector.shape_cast %swap3A_9 : vector<4x1x64x512xf32> to vector<4x64x512xf32>
    %swap3A_11 = vector.shape_cast %broadcast_in_dim3A_5 : vector<4x64x512xf32> to vector<4x1x64x512xf32>
    tpu.vector_store %arg2[%swap3A, %swap3A_6, %swap3A_7, %swap3A_8], %swap3A_11 {strides = array<i32>} : memref<4x10x64x1024xf32, #tpu.memory_space<vmem>>, vector<4x1x64x512xf32>,
    %broadcast_in_dim3A_12 = vector.shape_cast %transpose3A_3 : vector<64x512xf32> to vector<1x64x512xf32>
    %broadcast_in_dim3A_13 = vector.shape_cast %broadcast_in_dim3A_12 : vector<1x64x512xf32> to vector<1x64x512xf32>
    %broadcast_in_dim3A_14 = vector.broadcast %broadcast_in_dim3A_13 : vector<1x64x512xf32> to vector<4x64x512xf32>
    %swap3A_15 = arith.constant 0 : index
    %swap3A_16 = arith.constant 0 : index
    %swap3A_17 = arith.constant 0 : index
    %swap3A_18 = arith.constant 512 : index
    %swap3A_19 = vector.load %arg2[%swap3A_15, %swap3A_16, %swap3A_17, %swap3A_18] : memref<4x10x64x1024xf32, #tpu.memory_space<vmem>>, vector<4x1x64x512xf32>
    %swap3A_20 = vector.shape_cast %swap3A_19 : vector<4x1x64x512xf32> to vector<4x64x512xf32>
    %swap3A_21 = vector.shape_cast %broadcast_in_dim3A_14 : vector<4x64x512xf32> to vector<4x1x64x512xf32>
    tpu.vector_store %arg2[%swap3A_15, %swap3A_16, %swap3A_17, %swap3A_18], %swap3A_21 {strides = array<i32>} : memref<4x10x64x1024xf32, #tpu.memory_space<vmem>>, vector<4x1x64x512xf32>,
    %get3A_22 = arith.constant 512 : index
    %get3A_23 = arith.constant 0 : index
    %get3A_24 = vector.load %arg1[%get3A_22, %get3A_23] : memref<5120x128xf32, #tpu.memory_space<vmem>>, vector<512x128xf32>
    %slice3A_25 = vector.extract_strided_slice %get3A_24 {offsets = [0, 0], sizes = [512, 64], strides = [1, 1]} : vector<512x128xf32> to vector<512x64xf32>
    %transpose3A_26 = tpu.transpose %slice3A_25, [1, 0] : vector<512x64xf32> -> vector<64x512xf32>
    %slice3A_27 = vector.extract_strided_slice %get3A_24 {offsets = [0, 64], sizes = [512, 64], strides = [1, 1]} : vector<512x128xf32> to vector<512x64xf32>
    %transpose3A_28 = tpu.transpose %slice3A_27, [1, 0] : vector<512x64xf32> -> vector<64x512xf32>
    %broadcast_in_dim3A_29 = vector.shape_cast %transpose3A_26 : vector<64x512xf32> to vector<1x64x512xf32>
    %broadcast_in_dim3A_30 = vector.shape_cast %broadcast_in_dim3A_29 : vector<1x64x512xf32> to vector<1x64x512xf32>
    %broadcast_in_dim3A_31 = vector.broadcast %broadcast_in_dim3A_30 : vector<1x64x512xf32> to vector<4x64x512xf32>
    %swap3A_32 = arith.constant 0 : index
    %swap3A_33 = arith.constant 1 : index
    %swap3A_34 = arith.constant 0 : index
    %swap3A_35 = arith.constant 0 : index
    %swap3A_36 = vector.load %arg2[%swap3A_32, %swap3A_33, %swap3A_34, %swap3A_35] : memref<4x10x64x1024xf32, #tpu.memory_space<vmem>>, vector<4x1x64x512xf32>
    %swap3A_37 = vector.shape_cast %swap3A_36 : vector<4x1x64x512xf32> to vector<4x64x512xf32>
    %swap3A_38 = vector.shape_cast %broadcast_in_dim3A_31 : vector<4x64x512xf32> to vector<4x1x64x512xf32>
    tpu.vector_store %arg2[%swap3A_32, %swap3A_33, %swap3A_34, %swap3A_35], %swap3A_38 {strides = array<i32>} : memref<4x10x64x1024xf32, #tpu.memory_space<vmem>>, vector<4x1x64x512xf32>,
    %broadcast_in_dim3A_39 = vector.shape_cast %transpose3A_28 : vector<64x512xf32> to vector<1x64x512xf32>
    %broadcast_in_dim3A_40 = vector.shape_cast %broadcast_in_dim3A_39 : vector<1x64x512xf32> to vector<1x64x512xf32>
    %broadcast_in_dim3A_41 = vector.broadcast %broadcast_in_dim3A_40 : vector<1x64x512xf32> to vector<4x64x512xf32>
    %swap3A_42 = arith.constant 0 : index
    %swap3A_43 = arith.constant 1 : index
    %swap3A_44 = arith.constant 0 : index
    %swap3A_45 = arith.constant 512 : index
    %swap3A_46 = vector.load %arg2[%swap3A_42, %swap3A_43, %swap3A_44, %swap3A_45] : memref<4x10x64x1024xf32, #tpu.memory_space<vmem>>, vector<4x1x64x512xf32>
    %swap3A_47 = vector.shape_cast %swap3A_46 : vector<4x1x64x512xf32> to vector<4x64x512xf32>
    %swap3A_48 = vector.shape_cast %broadcast_in_dim3A_41 : vector<4x64x512xf32> to vector<4x1x64x512xf32>
    tpu.vector_store %arg2[%swap3A_42, %swap3A_43, %swap3A_44, %swap3A_45], %swap3A_48 {strides = array<i32>} : memref<4x10x64x1024xf32, #tpu.memory_space<vmem>>, vector<4x1x64x512xf32>,
    %get3A_49 = arith.constant 1024 : index
    %get3A_50 = arith.constant 0 : index
    %get3A_51 = vector.load %arg1[%get3A_49, %get3A_50] : memref<5120x128xf32, #tpu.memory_space<vmem>>, vector<512x128xf32>
    %slice3A_52 = vector.extract_strided_slice %get3A_51 {offsets = [0, 0], sizes = [512, 64], strides = [1, 1]} : vector<512x128xf32> to vector<512x64xf32>
    %transpose3A_53 = tpu.transpose %slice3A_52, [1, 0] : vector<512x64xf32> -> vector<64x512xf32>
    %slice3A_54 = vector.extract_strided_slice %get3A_51 {offsets = [0, 64], sizes = [512, 64], strides = [1, 1]} : vector<512x128xf32> to vector<512x64xf32>
    %transpose3A_55 = tpu.transpose %slice3A_54, [1, 0] : vector<512x64xf32> -> vector<64x512xf32>
    %broadcast_in_dim3A_56 = vector.shape_cast %transpose3A_53 : vector<64x512xf32> to vector<1x64x512xf32>
    %broadcast_in_dim3A_57 = vector.shape_cast %broadcast_in_dim3A_56 : vector<1x64x512xf32> to vector<1x64x512xf32>
    %broadcast_in_dim3A_58 = vector.broadcast %broadcast_in_dim3A_57 : vector<1x64x512xf32> to vector<4x64x512xf32>
    %swap3A_59 = arith.constant 0 : index
    %swap3A_60 = arith.constant 2 : index
    %swap3A_61 = arith.constant 0 : index
    %swap3A_62 = arith.constant 0 : index
    %swap3A_63 = vector.load %arg2[%swap3A_59, %swap3A_60, %swap3A_61, %swap3A_62] : memref<4x10x64x1024xf32, #tpu.memory_space<vmem>>, vector<4x1x64x512xf32>
    %swap3A_64 = vector.shape_cast %swap3A_63 : vector<4x1x64x512xf32> to vector<4x64x512xf32>
    %swap3A_65 = vector.shape_cast %broadcast_in_dim3A_58 : vector<4x64x512xf32> to vector<4x1x64x512xf32>
    tpu.vector_store %arg2[%swap3A_59, %swap3A_60, %swap3A_61, %swap3A_62], %swap3A_65 {strides = array<i32>} : memref<4x10x64x1024xf32, #tpu.memory_space<vmem>>, vector<4x1x64x512xf32>,
    %broadcast_in_dim3A_66 = vector.shape_cast %transpose3A_55 : vector<64x512xf32> to vector<1x64x512xf32>
    %broadcast_in_dim3A_67 = vector.shape_cast %broadcast_in_dim3A_66 : vector<1x64x512xf32> to vector<1x64x512xf32>
    %broadcast_in_dim3A_68 = vector.broadcast %broadcast_in_dim3A_67 : vector<1x64x512xf32> to vector<4x64x512xf32>
    %swap3A_69 = arith.constant 0 : index
    %swap3A_70 = arith.constant 2 : index
    %swap3A_71 = arith.constant 0 : index
    %swap3A_72 = arith.constant 512 : index
    %swap3A_73 = vector.load %arg2[%swap3A_69, %swap3A_70, %swap3A_71, %swap3A_72] : memref<4x10x64x1024xf32, #tpu.memory_space<vmem>>, vector<4x1x64x512xf32>
    %swap3A_74 = vector.shape_cast %swap3A_73 : vector<4x1x64x512xf32> to vector<4x64x512xf32>
    %swap3A_75 = vector.shape_cast %broadcast_in_dim3A_68 : vector<4x64x512xf32> to vector<4x1x64x512xf32>
    tpu.vector_store %arg2[%swap3A_69, %swap3A_70, %swap3A_71, %swap3A_72], %swap3A_75 {strides = array<i32>} : memref<4x10x64x1024xf32, #tpu.memory_space<vmem>>, vector<4x1x64x512xf32>,
    %get3A_76 = arith.constant 1536 : index
    %get3A_77 = arith.constant 0 : index
    %get3A_78 = vector.load %arg1[%get3A_76, %get3A_77] : memref<5120x128xf32, #tpu.memory_space<vmem>>, vector<512x128xf32>
    %slice3A_79 = vector.extract_strided_slice %get3A_78 {offsets = [0, 0], sizes = [512, 64], strides = [1, 1]} : vector<512x128xf32> to vector<512x64xf32>
    %transpose3A_80 = tpu.transpose %slice3A_79, [1, 0] : vector<512x64xf32> -> vector<64x512xf32>
    %slice3A_81 = vector.extract_strided_slice %get3A_78 {offsets = [0, 64], sizes = [512, 64], strides = [1, 1]} : vector<512x128xf32> to vector<512x64xf32>
    %transpose3A_82 = tpu.transpose %slice3A_81, [1, 0] : vector<512x64xf32> -> vector<64x512xf32>
    %broadcast_in_dim3A_83 = vector.shape_cast %transpose3A_80 : vector<64x512xf32> to vector<1x64x512xf32>
    %broadcast_in_dim3A_84 = vector.shape_cast %broadcast_in_dim3A_83 : vector<1x64x512xf32> to vector<1x64x512xf32>
    %broadcast_in_dim3A_85 = vector.broadcast %broadcast_in_dim3A_84 : vector<1x64x512xf32> to vector<4x64x512xf32>
    %swap3A_86 = arith.constant 0 : index
    %swap3A_87 = arith.constant 3 : index
    %swap3A_88 = arith.constant 0 : index
    %swap3A_89 = arith.constant 0 : index
    %swap3A_90 = vector.load %arg2[%swap3A_86, %swap3A_87, %swap3A_88, %swap3A_89] : memref<4x10x64x1024xf32, #tpu.memory_space<vmem>>, vector<4x1x64x512xf32>
    %swap3A_91 = vector.shape_cast %swap3A_90 : vector<4x1x64x512xf32> to vector<4x64x512xf32>
    %swap3A_92 = vector.shape_cast %broadcast_in_dim3A_85 : vector<4x64x512xf32> to vector<4x1x64x512xf32>
    tpu.vector_store %arg2[%swap3A_86, %swap3A_87, %swap3A_88, %swap3A_89], %swap3A_92 {strides = array<i32>} : memref<4x10x64x1024xf32, #tpu.memory_space<vmem>>, vector<4x1x64x512xf32>,
    %broadcast_in_dim3A_93 = vector.shape_cast %transpose3A_82 : vector<64x512xf32> to vector<1x64x512xf32>
    %broadcast_in_dim3A_94 = vector.shape_cast %broadcast_in_dim3A_93 : vector<1x64x512xf32> to vector<1x64x512xf32>
    %broadcast_in_dim3A_95 = vector.broadcast %broadcast_in_dim3A_94 : vector<1x64x512xf32> to vector<4x64x512xf32>
    %swap3A_96 = arith.constant 0 : index
    %swap3A_97 = arith.constant 3 : index
    %swap3A_98 = arith.constant 0 : index
    %swap3A_99 = arith.constant 512 : index
    %swap3A_100 = vector.load %arg2[%swap3A_96, %swap3A_97, %swap3A_98, %swap3A_99] : memref<4x10x64x1024xf32, #tpu.memory_space<vmem>>, vector<4x1x64x512xf32>
    %swap3A_101 = vector.shape_cast %swap3A_100 : vector<4x1x64x512xf32> to vector<4x64x512xf32>
    %swap3A_102 = vector.shape_cast %broadcast_in_dim3A_95 : vector<4x64x512xf32> to vector<4x1x64x512xf32>
    tpu.vector_store %arg2[%swap3A_96, %swap3A_97, %swap3A_98, %swap3A_99], %swap3A_102 {strides = array<i32>} : memref<4x10x64x1024xf32, #tpu.memory_space<vmem>>, vector<4x1x64x512xf32>,
    %get3A_103 = arith.constant 2048 : index
    %get3A_104 = arith.constant 0 : index
    %get3A_105 = vector.load %arg1[%get3A_103, %get3A_104] : memref<5120x128xf32, #tpu.memory_space<vmem>>, vector<512x128xf32>
    %slice3A_106 = vector.extract_strided_slice %get3A_105 {offsets = [0, 0], sizes = [512, 64], strides = [1, 1]} : vector<512x128xf32> to vector<512x64xf32>
    %transpose3A_107 = tpu.transpose %slice3A_106, [1, 0] : vector<512x64xf32> -> vector<64x512xf32>
    %slice3A_108 = vector.extract_strided_slice %get3A_105 {offsets = [0, 64], sizes = [512, 64], strides = [1, 1]} : vector<512x128xf32> to vector<512x64xf32>
    %transpose3A_109 = tpu.transpose %slice3A_108, [1, 0] : vector<512x64xf32> -> vector<64x512xf32>
    %broadcast_in_dim3A_110 = vector.shape_cast %transpose3A_107 : vector<64x512xf32> to vector<1x64x512xf32>
    %broadcast_in_dim3A_111 = vector.shape_cast %broadcast_in_dim3A_110 : vector<1x64x512xf32> to vector<1x64x512xf32>
    %broadcast_in_dim3A_112 = vector.broadcast %broadcast_in_dim3A_111 : vector<1x64x512xf32> to vector<4x64x512xf32>
    %swap3A_113 = arith.constant 0 : index
    %swap3A_114 = arith.constant 4 : index
    %swap3A_115 = arith.constant 0 : index
    %swap3A_116 = arith.constant 0 : index
    %swap3A_117 = vector.load %arg2[%swap3A_113, %swap3A_114, %swap3A_115, %swap3A_116] : memref<4x10x64x1024xf32, #tpu.memory_space<vmem>>, vector<4x1x64x512xf32>
    %swap3A_118 = vector.shape_cast %swap3A_117 : vector<4x1x64x512xf32> to vector<4x64x512xf32>
    %swap3A_119 = vector.shape_cast %broadcast_in_dim3A_112 : vector<4x64x512xf32> to vector<4x1x64x512xf32>
    tpu.vector_store %arg2[%swap3A_113, %swap3A_114, %swap3A_115, %swap3A_116], %swap3A_119 {strides = array<i32>} : memref<4x10x64x1024xf32, #tpu.memory_space<vmem>>, vector<4x1x64x512xf32>,
    %broadcast_in_dim3A_120 = vector.shape_cast %transpose3A_109 : vector<64x512xf32> to vector<1x64x512xf32>
    %broadcast_in_dim3A_121 = vector.shape_cast %broadcast_in_dim3A_120 : vector<1x64x512xf32> to vector<1x64x512xf32>
    %broadcast_in_dim3A_122 = vector.broadcast %broadcast_in_dim3A_121 : vector<1x64x512xf32> to vector<4x64x512xf32>
    %swap3A_123 = arith.constant 0 : index
    %swap3A_124 = arith.constant 4 : index
    %swap3A_125 = arith.constant 0 : index
    %swap3A_126 = arith.constant 512 : index
    %swap3A_127 = vector.load %arg2[%swap3A_123, %swap3A_124, %swap3A_125, %swap3A_126] : memref<4x10x64x1024xf32, #tpu.memory_space<vmem>>, vector<4x1x64x512xf32>
    %swap3A_128 = vector.shape_cast %swap3A_127 : vector<4x1x64x512xf32> to vector<4x64x512xf32>
    %swap3A_129 = vector.shape_cast %broadcast_in_dim3A_122 : vector<4x64x512xf32> to vector<4x1x64x512xf32>
    tpu.vector_store %arg2[%swap3A_123, %swap3A_124, %swap3A_125, %swap3A_126], %swap3A_129 {strides = array<i32>} : memref<4x10x64x1024xf32, #tpu.memory_space<vmem>>, vector<4x1x64x512xf32>,
    %get3A_130 = arith.constant 2560 : index
    %get3A_131 = arith.constant 0 : index
    %get3A_132 = vector.load %arg1[%get3A_130, %get3A_131] : memref<5120x128xf32, #tpu.memory_space<vmem>>, vector<512x128xf32>
    %slice3A_133 = vector.extract_strided_slice %get3A_132 {offsets = [0, 0], sizes = [512, 64], strides = [1, 1]} : vector<512x128xf32> to vector<512x64xf32>
    %transpose3A_134 = tpu.transpose %slice3A_133, [1, 0] : vector<512x64xf32> -> vector<64x512xf32>
    %slice3A_135 = vector.extract_strided_slice %get3A_132 {offsets = [0, 64], sizes = [512, 64], strides = [1, 1]} : vector<512x128xf32> to vector<512x64xf32>
    %transpose3A_136 = tpu.transpose %slice3A_135, [1, 0] : vector<512x64xf32> -> vector<64x512xf32>
    %broadcast_in_dim3A_137 = vector.shape_cast %transpose3A_134 : vector<64x512xf32> to vector<1x64x512xf32>
    %broadcast_in_dim3A_138 = vector.shape_cast %broadcast_in_dim3A_137 : vector<1x64x512xf32> to vector<1x64x512xf32>
    %broadcast_in_dim3A_139 = vector.broadcast %broadcast_in_dim3A_138 : vector<1x64x512xf32> to vector<4x64x512xf32>
    %swap3A_140 = arith.constant 0 : index
    %swap3A_141 = arith.constant 5 : index
    %swap3A_142 = arith.constant 0 : index
    %swap3A_143 = arith.constant 0 : index
    %swap3A_144 = vector.load %arg2[%swap3A_140, %swap3A_141, %swap3A_142, %swap3A_143] : memref<4x10x64x1024xf32, #tpu.memory_space<vmem>>, vector<4x1x64x512xf32>
    %swap3A_145 = vector.shape_cast %swap3A_144 : vector<4x1x64x512xf32> to vector<4x64x512xf32>
    %swap3A_146 = vector.shape_cast %broadcast_in_dim3A_139 : vector<4x64x512xf32> to vector<4x1x64x512xf32>
    tpu.vector_store %arg2[%swap3A_140, %swap3A_141, %swap3A_142, %swap3A_143], %swap3A_146 {strides = array<i32>} : memref<4x10x64x1024xf32, #tpu.memory_space<vmem>>, vector<4x1x64x512xf32>,
    %broadcast_in_dim3A_147 = vector.shape_cast %transpose3A_136 : vector<64x512xf32> to vector<1x64x512xf32>
    %broadcast_in_dim3A_148 = vector.shape_cast %broadcast_in_dim3A_147 : vector<1x64x512xf32> to vector<1x64x512xf32>
    %broadcast_in_dim3A_149 = vector.broadcast %broadcast_in_dim3A_148 : vector<1x64x512xf32> to vector<4x64x512xf32>
    %swap3A_150 = arith.constant 0 : index
    %swap3A_151 = arith.constant 5 : index
    %swap3A_152 = arith.constant 0 : index
    %swap3A_153 = arith.constant 512 : index
    %swap3A_154 = vector.load %arg2[%swap3A_150, %swap3A_151, %swap3A_152, %swap3A_153] : memref<4x10x64x1024xf32, #tpu.memory_space<vmem>>, vector<4x1x64x512xf32>
    %swap3A_155 = vector.shape_cast %swap3A_154 : vector<4x1x64x512xf32> to vector<4x64x512xf32>
    %swap3A_156 = vector.shape_cast %broadcast_in_dim3A_149 : vector<4x64x512xf32> to vector<4x1x64x512xf32>
    tpu.vector_store %arg2[%swap3A_150, %swap3A_151, %swap3A_152, %swap3A_153], %swap3A_156 {strides = array<i32>} : memref<4x10x64x1024xf32, #tpu.memory_space<vmem>>, vector<4x1x64x512xf32>,
    %get3A_157 = arith.constant 3072 : index
    %get3A_158 = arith.constant 0 : index
    %get3A_159 = vector.load %arg1[%get3A_157, %get3A_158] : memref<5120x128xf32, #tpu.memory_space<vmem>>, vector<512x128xf32>
    %slice3A_160 = vector.extract_strided_slice %get3A_159 {offsets = [0, 0], sizes = [512, 64], strides = [1, 1]} : vector<512x128xf32> to vector<512x64xf32>
    %transpose3A_161 = tpu.transpose %slice3A_160, [1, 0] : vector<512x64xf32> -> vector<64x512xf32>
    %slice3A_162 = vector.extract_strided_slice %get3A_159 {offsets = [0, 64], sizes = [512, 64], strides = [1, 1]} : vector<512x128xf32> to vector<512x64xf32>
    %transpose3A_163 = tpu.transpose %slice3A_162, [1, 0] : vector<512x64xf32> -> vector<64x512xf32>
    %broadcast_in_dim3A_164 = vector.shape_cast %transpose3A_161 : vector<64x512xf32> to vector<1x64x512xf32>
    %broadcast_in_dim3A_165 = vector.shape_cast %broadcast_in_dim3A_164 : vector<1x64x512xf32> to vector<1x64x512xf32>
    %broadcast_in_dim3A_166 = vector.broadcast %broadcast_in_dim3A_165 : vector<1x64x512xf32> to vector<4x64x512xf32>
    %swap3A_167 = arith.constant 0 : index
    %swap3A_168 = arith.constant 6 : index
    %swap3A_169 = arith.constant 0 : index
    %swap3A_170 = arith.constant 0 : index
    %swap3A_171 = vector.load %arg2[%swap3A_167, %swap3A_168, %swap3A_169, %swap3A_170] : memref<4x10x64x1024xf32, #tpu.memory_space<vmem>>, vector<4x1x64x512xf32>
    %swap3A_172 = vector.shape_cast %swap3A_171 : vector<4x1x64x512xf32> to vector<4x64x512xf32>
    %swap3A_173 = vector.shape_cast %broadcast_in_dim3A_166 : vector<4x64x512xf32> to vector<4x1x64x512xf32>
    tpu.vector_store %arg2[%swap3A_167, %swap3A_168, %swap3A_169, %swap3A_170], %swap3A_173 {strides = array<i32>} : memref<4x10x64x1024xf32, #tpu.memory_space<vmem>>, vector<4x1x64x512xf32>,
    %broadcast_in_dim3A_174 = vector.shape_cast %transpose3A_163 : vector<64x512xf32> to vector<1x64x512xf32>
    %broadcast_in_dim3A_175 = vector.shape_cast %broadcast_in_dim3A_174 : vector<1x64x512xf32> to vector<1x64x512xf32>
    %broadcast_in_dim3A_176 = vector.broadcast %broadcast_in_dim3A_175 : vector<1x64x512xf32> to vector<4x64x512xf32>
    %swap3A_177 = arith.constant 0 : index
    %swap3A_178 = arith.constant 6 : index
    %swap3A_179 = arith.constant 0 : index
    %swap3A_180 = arith.constant 512 : index
    %swap3A_181 = vector.load %arg2[%swap3A_177, %swap3A_178, %swap3A_179, %swap3A_180] : memref<4x10x64x1024xf32, #tpu.memory_space<vmem>>, vector<4x1x64x512xf32>
    %swap3A_182 = vector.shape_cast %swap3A_181 : vector<4x1x64x512xf32> to vector<4x64x512xf32>
    %swap3A_183 = vector.shape_cast %broadcast_in_dim3A_176 : vector<4x64x512xf32> to vector<4x1x64x512xf32>
    tpu.vector_store %arg2[%swap3A_177, %swap3A_178, %swap3A_179, %swap3A_180], %swap3A_183 {strides = array<i32>} : memref<4x10x64x1024xf32, #tpu.memory_space<vmem>>, vector<4x1x64x512xf32>,
    %get3A_184 = arith.constant 3584 : index
    %get3A_185 = arith.constant 0 : index
    %get3A_186 = vector.load %arg1[%get3A_184, %get3A_185] : memref<5120x128xf32, #tpu.memory_space<vmem>>, vector<512x128xf32>
    %slice3A_187 = vector.extract_strided_slice %get3A_186 {offsets = [0, 0], sizes = [512, 64], strides = [1, 1]} : vector<512x128xf32> to vector<512x64xf32>
    %transpose3A_188 = tpu.transpose %slice3A_187, [1, 0] : vector<512x64xf32> -> vector<64x512xf32>
    %slice3A_189 = vector.extract_strided_slice %get3A_186 {offsets = [0, 64], sizes = [512, 64], strides = [1, 1]} : vector<512x128xf32> to vector<512x64xf32>
    %transpose3A_190 = tpu.transpose %slice3A_189, [1, 0] : vector<512x64xf32> -> vector<64x512xf32>
    %broadcast_in_dim3A_191 = vector.shape_cast %transpose3A_188 : vector<64x512xf32> to vector<1x64x512xf32>
    %broadcast_in_dim3A_192 = vector.shape_cast %broadcast_in_dim3A_191 : vector<1x64x512xf32> to vector<1x64x512xf32>
    %broadcast_in_dim3A_193 = vector.broadcast %broadcast_in_dim3A_192 : vector<1x64x512xf32> to vector<4x64x512xf32>
    %swap3A_194 = arith.constant 0 : index
    %swap3A_195 = arith.constant 7 : index
    %swap3A_196 = arith.constant 0 : index
    %swap3A_197 = arith.constant 0 : index
    %swap3A_198 = vector.load %arg2[%swap3A_194, %swap3A_195, %swap3A_196, %swap3A_197] : memref<4x10x64x1024xf32, #tpu.memory_space<vmem>>, vector<4x1x64x512xf32>
    %swap3A_199 = vector.shape_cast %swap3A_198 : vector<4x1x64x512xf32> to vector<4x64x512xf32>
    %swap3A_200 = vector.shape_cast %broadcast_in_dim3A_193 : vector<4x64x512xf32> to vector<4x1x64x512xf32>
    tpu.vector_store %arg2[%swap3A_194, %swap3A_195, %swap3A_196, %swap3A_197], %swap3A_200 {strides = array<i32>} : memref<4x10x64x1024xf32, #tpu.memory_space<vmem>>, vector<4x1x64x512xf32>,
    %broadcast_in_dim3A_201 = vector.shape_cast %transpose3A_190 : vector<64x512xf32> to vector<1x64x512xf32>
    %broadcast_in_dim3A_202 = vector.shape_cast %broadcast_in_dim3A_201 : vector<1x64x512xf32> to vector<1x64x512xf32>
    %broadcast_in_dim3A_203 = vector.broadcast %broadcast_in_dim3A_202 : vector<1x64x512xf32> to vector<4x64x512xf32>
    %swap3A_204 = arith.constant 0 : index
    %swap3A_205 = arith.constant 7 : index
    %swap3A_206 = arith.constant 0 : index
    %swap3A_207 = arith.constant 512 : index
    %swap3A_208 = vector.load %arg2[%swap3A_204, %swap3A_205, %swap3A_206, %swap3A_207] : memref<4x10x64x1024xf32, #tpu.memory_space<vmem>>, vector<4x1x64x512xf32>
    %swap3A_209 = vector.shape_cast %swap3A_208 : vector<4x1x64x512xf32> to vector<4x64x512xf32>
    %swap3A_210 = vector.shape_cast %broadcast_in_dim3A_203 : vector<4x64x512xf32> to vector<4x1x64x512xf32>
    tpu.vector_store %arg2[%swap3A_204, %swap3A_205, %swap3A_206, %swap3A_207], %swap3A_210 {strides = array<i32>} : memref<4x10x64x1024xf32, #tpu.memory_space<vmem>>, vector<4x1x64x512xf32>,
    %get3A_211 = arith.constant 4096 : index
    %get3A_212 = arith.constant 0 : index
    %get3A_213 = vector.load %arg1[%get3A_211, %get3A_212] : memref<5120x128xf32, #tpu.memory_space<vmem>>, vector<512x128xf32>
    %slice3A_214 = vector.extract_strided_slice %get3A_213 {offsets = [0, 0], sizes = [512, 64], strides = [1, 1]} : vector<512x128xf32> to vector<512x64xf32>
    %transpose3A_215 = tpu.transpose %slice3A_214, [1, 0] : vector<512x64xf32> -> vector<64x512xf32>
    %slice3A_216 = vector.extract_strided_slice %get3A_213 {offsets = [0, 64], sizes = [512, 64], strides = [1, 1]} : vector<512x128xf32> to vector<512x64xf32>
    %transpose3A_217 = tpu.transpose %slice3A_216, [1, 0] : vector<512x64xf32> -> vector<64x512xf32>
    %broadcast_in_dim3A_218 = vector.shape_cast %transpose3A_215 : vector<64x512xf32> to vector<1x64x512xf32>
    %broadcast_in_dim3A_219 = vector.shape_cast %broadcast_in_dim3A_218 : vector<1x64x512xf32> to vector<1x64x512xf32>
    %broadcast_in_dim3A_220 = vector.broadcast %broadcast_in_dim3A_219 : vector<1x64x512xf32> to vector<4x64x512xf32>
    %swap3A_221 = arith.constant 0 : index
    %swap3A_222 = arith.constant 8 : index
    %swap3A_223 = arith.constant 0 : index
    %swap3A_224 = arith.constant 0 : index
    %swap3A_225 = vector.load %arg2[%swap3A_221, %swap3A_222, %swap3A_223, %swap3A_224] : memref<4x10x64x1024xf32, #tpu.memory_space<vmem>>, vector<4x1x64x512xf32>
    %swap3A_226 = vector.shape_cast %swap3A_225 : vector<4x1x64x512xf32> to vector<4x64x512xf32>
    %swap3A_227 = vector.shape_cast %broadcast_in_dim3A_220 : vector<4x64x512xf32> to vector<4x1x64x512xf32>
    tpu.vector_store %arg2[%swap3A_221, %swap3A_222, %swap3A_223, %swap3A_224], %swap3A_227 {strides = array<i32>} : memref<4x10x64x1024xf32, #tpu.memory_space<vmem>>, vector<4x1x64x512xf32>,
    %broadcast_in_dim3A_228 = vector.shape_cast %transpose3A_217 : vector<64x512xf32> to vector<1x64x512xf32>
    %broadcast_in_dim3A_229 = vector.shape_cast %broadcast_in_dim3A_228 : vector<1x64x512xf32> to vector<1x64x512xf32>
    %broadcast_in_dim3A_230 = vector.broadcast %broadcast_in_dim3A_229 : vector<1x64x512xf32> to vector<4x64x512xf32>
    %swap3A_231 = arith.constant 0 : index
    %swap3A_232 = arith.constant 8 : index
    %swap3A_233 = arith.constant 0 : index
    %swap3A_234 = arith.constant 512 : index
    %swap3A_235 = vector.load %arg2[%swap3A_231, %swap3A_232, %swap3A_233, %swap3A_234] : memref<4x10x64x1024xf32, #tpu.memory_space<vmem>>, vector<4x1x64x512xf32>
    %swap3A_236 = vector.shape_cast %swap3A_235 : vector<4x1x64x512xf32> to vector<4x64x512xf32>
    %swap3A_237 = vector.shape_cast %broadcast_in_dim3A_230 : vector<4x64x512xf32> to vector<4x1x64x512xf32>
    tpu.vector_store %arg2[%swap3A_231, %swap3A_232, %swap3A_233, %swap3A_234], %swap3A_237 {strides = array<i32>} : memref<4x10x64x1024xf32, #tpu.memory_space<vmem>>, vector<4x1x64x512xf32>,
    %get3A_238 = arith.constant 4608 : index
    %get3A_239 = arith.constant 0 : index
    %get3A_240 = vector.load %arg1[%get3A_238, %get3A_239] : memref<5120x128xf32, #tpu.memory_space<vmem>>, vector<512x128xf32>
    %slice3A_241 = vector.extract_strided_slice %get3A_240 {offsets = [0, 0], sizes = [512, 64], strides = [1, 1]} : vector<512x128xf32> to vector<512x64xf32>
    %transpose3A_242 = tpu.transpose %slice3A_241, [1, 0] : vector<512x64xf32> -> vector<64x512xf32>
    %slice3A_243 = vector.extract_strided_slice %get3A_240 {offsets = [0, 64], sizes = [512, 64], strides = [1, 1]} : vector<512x128xf32> to vector<512x64xf32>
    %transpose3A_244 = tpu.transpose %slice3A_243, [1, 0] : vector<512x64xf32> -> vector<64x512xf32>
    %broadcast_in_dim3A_245 = vector.shape_cast %transpose3A_242 : vector<64x512xf32> to vector<1x64x512xf32>
    %broadcast_in_dim3A_246 = vector.shape_cast %broadcast_in_dim3A_245 : vector<1x64x512xf32> to vector<1x64x512xf32>
    %broadcast_in_dim3A_247 = vector.broadcast %broadcast_in_dim3A_246 : vector<1x64x512xf32> to vector<4x64x512xf32>
    %swap3A_248 = arith.constant 0 : index
    %swap3A_249 = arith.constant 9 : index
    %swap3A_250 = arith.constant 0 : index
    %swap3A_251 = arith.constant 0 : index
    %swap3A_252 = vector.load %arg2[%swap3A_248, %swap3A_249, %swap3A_250, %swap3A_251] : memref<4x10x64x1024xf32, #tpu.memory_space<vmem>>, vector<4x1x64x512xf32>
    %swap3A_253 = vector.shape_cast %swap3A_252 : vector<4x1x64x512xf32> to vector<4x64x512xf32>
    %swap3A_254 = vector.shape_cast %broadcast_in_dim3A_247 : vector<4x64x512xf32> to vector<4x1x64x512xf32>
    tpu.vector_store %arg2[%swap3A_248, %swap3A_249, %swap3A_250, %swap3A_251], %swap3A_254 {strides = array<i32>} : memref<4x10x64x1024xf32, #tpu.memory_space<vmem>>, vector<4x1x64x512xf32>,
    %broadcast_in_dim3A_255 = vector.shape_cast %transpose3A_244 : vector<64x512xf32> to vector<1x64x512xf32>
    %broadcast_in_dim3A_256 = vector.shape_cast %broadcast_in_dim3A_255 : vector<1x64x512xf32> to vector<1x64x512xf32>
    %broadcast_in_dim3A_257 = vector.broadcast %broadcast_in_dim3A_256 : vector<1x64x512xf32> to vector<4x64x512xf32>
    %swap3A_258 = arith.constant 0 : index
    %swap3A_259 = arith.constant 9 : index
    %swap3A_260 = arith.constant 0 : index
    %swap3A_261 = arith.constant 512 : index
    %swap3A_262 = vector.load %arg2[%swap3A_258, %swap3A_259, %swap3A_260, %swap3A_261] : memref<4x10x64x1024xf32, #tpu.memory_space<vmem>>, vector<4x1x64x512xf32>
    %swap3A_263 = vector.shape_cast %swap3A_262 : vector<4x1x64x512xf32> to vector<4x64x512xf32>
    %swap3A_264 = vector.shape_cast %broadcast_in_dim3A_257 : vector<4x64x512xf32> to vector<4x1x64x512xf32>
    tpu.vector_store %arg2[%swap3A_258, %swap3A_259, %swap3A_260, %swap3A_261], %swap3A_264 {strides = array<i32>} : memref<4x10x64x1024xf32, #tpu.memory_space<vmem>>, vector<4x1x64x512xf32>,
    return
  }
  func.func @transform_0(%arg0: i32) -> (i32, i32) {
    %c0_i32 = arith.constant 0 : i32
    %c0_i32_0 = arith.constant 0 : i32
    return %arg0, %c0_i32 : i32, i32
  }
  func.func @transform_1(%arg0: i32) -> (i32, i32, i32, i32) {
    %c0_i32 = arith.constant 0 : i32
    %c0_i32_0 = arith.constant 0 : i32
    %c0_i32_1 = arith.constant 0 : i32
    %c0_i32_2 = arith.constant 0 : i32
    return %c0_i32, %arg0, %c0_i32_0, %c0_i32_1 : i32, i32, i32, i32
  }
}

</mosaic_0001>

<sc_bundles>
// kernel: kernel.4.cloned.1.call-start
scs
__scs_entry_jumppad:
0x0: {  	(pc) =	sbr.rel $0x88, $3  }
0x1: {  	(tag) =	ssettag $0x0;
	lr =	simm.s32 $0x1  }
0x2: {  	[smem:$0x3F9F] =	sst lr;
	_ =	strace $0xD0000000  }
0x3: {  	_ = 	snop  }
0x4: {  	_ = 	snop  }
0x5: {  	_ = 	snop  }
0x6: {  	_ = 	snop  }
0x7: {  	_ = 	snop  }
__scs_overlays_trampoline_lowered:
0x8: {  	[smem:$0x3FAE] =	sst s0  }
0x9: {  	[smem:$0x3FAF] =	sst s1  }
0xa: {  	[smem:$0x3FB0] =	sst s2  }
0xb: {  	[smem:$0x3FB1] =	sst s3  }
0xc: {  	[smem:$0x3FB2] =	sst s4  }
0xd: {  	[smem:$0x3FB3] =	sst s5  }
0xe: {  	[smem:$0x3FB4] =	sst s6  }
0xf: {  	[smem:$0x3FB5] =	sst s7  }
0x10: {  	[smem:$0x3FB6] =	sst s8  }
0x11: {  	[smem:$0x3FB7] =	sst s9;
	s0 =	simm.s32 @!p0 $0x0  }
0x12: {  	s1 =	sld [smem:$0x3F9D];
	s0 =	simm.s32 @p0 $0x1  }
0x13: {  	[smem:$0x3FB8] =	sst s0;
	s0 =	simm.s32 @!p1 $0x0  }
0x14: {  	s2 =	sld [smem:$0x3F9C];
	s0 =	simm.s32 @p1 $0x1  }
0x15: {  	[smem:$0x3FB9] =	sst s0;
	s0 =	simm.s32 @!p2 $0x0  }
0x16: {  	s3 =	sld [smem:$0x3FDB];
	s0 =	simm.s32 @p2 $0x1  }
0x17: {  	s4 =	simm.s32 $0x1BF5;
	[smem:$0x3FBB] =	sst s0  }
0x18: {  	s0 =	sld [smem:$0x3F9E];
	_ =	swait.ge [sflag:s4], $0x0  }
0x19: {  	s7 =	sld [smem:$0x3F9F]  }
0x1a: {  	s8 =	sadd.s32 $0xFFFFE003, lr  }
0x1b: {  	s9 =	sadd.s32 $0xFFFFFEF7, lr;
	s5 =	simm.s32 $0xFFFFFFFF;
	p2 =	slt.u32 s8, $0xFFFFF086  }
0x1c: {  	p1 =	slt.u32 s9, $0xF7A;
	s5 =	simm.s32 @!p2 $0x0  }
0x1d: {  	s5 =	simm.s32 @p1 $0x1;
	p0 =	seq.s32 s7, s2  }
0x1e: {  	s7 =	smul.u32 @!p0 $0xF7A, s2;
	p2 =	seq.s32 @!p0 s5, $0x0  }
0x1f: {  	s9 =	smul.u32 $0xF7A, s1;
	s8 =	simm.s32 @!p0 $0x1BF5;
	p2 =	por !p2, p0  }
0x20: {  	[sflag:s8] =	ssyncset.s32 @!p0 $0xFFFFF086;
	s6 =	sadd.s32 @!p0 s3, s7;
	s7 =	simm.s32 @!p0 $0x108  }
0x21: {  	s3 =	sadd.s32 s3, s9;
	s6 =	sadd.s32 @!p0 $0x88, s6;
	s7 =	simm.s32 @p2 $0x1082  }
0x22: {  	[simem:s7], [sflag:s8] =	dma.local @!p0 [hbm:s6], $0xF7A  }
0x23: {  	s9 =	sor.u32 $0xD0000000, s2;
	s6 =	simm.s32 $0x108;
	_ =	swait.ge @!p0 [sflag:s8], $0x0  }
0x24: {  	s3 =	sadd.s32 $0x88, s3;
	s6 =	simm.s32 @!p1 $0x1082;
	[sflag:s4] =	ssyncset.s32 $0xFFFFF086  }
0x25: {  	[simem:s6], [sflag:s4] =	dma.local [hbm:s3], $0xF7A  }
0x26: {  	[smem:$0x3F9F] =	sst s1;
	(tag) =	ssettag s2;
	_ =	strace s9  }
0x27: {  	s1 =	sld [smem:$0x3FAF]  }
0x28: {  	s2 =	sld [smem:$0x3FB0]  }
0x29: {  	s4 =	sld [smem:$0x3FB2]  }
0x2a: {  	p0 =	seq.s32 s5, $0x0;
	s5 =	sld [smem:$0x3FB3]  }
0x2b: {  	s6 =	sld [smem:$0x3FB4]  }
0x2c: {  	s7 =	sld [smem:$0x3FB5]  }
0x2d: {  	s3 =	simm.s32 $0x108;
	s8 =	sld [smem:$0x3FB6]  }
0x2e: {  	s3 =	simm.s32 @!p0 $0x1082;
	s9 =	sld [smem:$0x3FB7]  }
0x2f: {  	lr =	sadd.s32 s0, s3;
	s0 =	sld [smem:$0x3FAE]  }
0x30: {  	s3 =	sld [smem:$0x3FB1]  }
0x31: {  	[smem:$0x3FBA] =	sst s10  }
0x32: {  	s10 =	sld [smem:$0x3FB8];
	_ =	sdelay $0x3  }
0x33: {  	p0 =	seq.s32 s10, $0x1;
	s10 =	sld [smem:$0x3FBA];
	_ =	sdelay $0x3  }
0x34: {  	[smem:$0x3FBA] =	sst s10  }
0x35: {  	s10 =	sld [smem:$0x3FB9];
	_ =	sdelay $0x3  }
0x36: {  	p1 =	seq.s32 s10, $0x1;
	s10 =	sld [smem:$0x3FBA];
	_ =	sdelay $0x3  }
0x37: {  	[smem:$0x3FBA] =	sst s10  }
0x38: {  	s10 =	sld [smem:$0x3FBB]  }
0x39: {  	_ = 	snop;
	(pc) =	sbr.ind lr, $3  }
0x3a: {  	_ = 	snop  }
0x3b: {  	_ = 	snop  }
0x3c: {  	p2 =	seq.s32 s10, $0x1;
	s10 =	sld [smem:$0x3FBA]  }
0x3d: {  	_ =	shalt  }
0x3e: {  	_ =	shalt  }
0x3f: {  	_ =	shalt  }
0x40: {  	_ =	shalt  }
0x41: {  	_ =	shalt  }
0x42: {  	_ =	shalt  }
0x43: {  	_ =	shalt  }
0x44: {  	_ =	shalt  }
0x45: {  	_ =	shalt  }
0x46: {  	_ =	shalt  }
0x47: {  	_ =	shalt  }
0x48: {  	_ =	shalt  }
0x49: {  	_ =	shalt  }
0x4a: {  	_ =	shalt  }
0x4b: {  	_ =	shalt  }
0x4c: {  	_ =	shalt  }
0x4d: {  	_ =	shalt  }
0x4e: {  	_ =	shalt  }
0x4f: {  	_ =	shalt  }
0x50: {  	_ =	shalt  }
0x51: {  	_ =	shalt  }
0x52: {  	_ =	shalt  }
0x53: {  	_ =	shalt  }
0x54: {  	_ =	shalt  }
0x55: {  	_ =	shalt  }
0x56: {  	_ =	shalt  }
0x57: {  	_ =	shalt  }
0x58: {  	_ =	shalt  }
0x59: {  	_ =	shalt  }
0x5a: {  	_ =	shalt  }
0x5b: {  	_ =	shalt  }
0x5c: {  	_ =	shalt  }
0x5d: {  	_ =	shalt  }
0x5e: {  	_ =	shalt  }
0x5f: {  	_ =	shalt  }
0x60: {  	_ =	shalt  }
0x61: {  	_ =	shalt  }
0x62: {  	_ =	shalt  }
0x63: {  	_ =	shalt  }
0x64: {  	_ =	shalt  }
0x65: {  	_ =	shalt  }
0x66: {  	_ =	shalt  }
0x67: {  	_ =	shalt  }
0x68: {  	_ =	shalt  }
0x69: {  	_ =	shalt  }
0x6a: {  	_ =	shalt  }
0x6b: {  	_ =	shalt  }
0x6c: {  	_ =	shalt  }
0x6d: {  	_ =	shalt  }
0x6e: {  	_ =	shalt  }
0x6f: {  	_ =	shalt  }
0x70: {  	_ =	shalt  }
0x71: {  	_ =	shalt  }
0x72: {  	_ =	shalt  }
0x73: {  	_ =	shalt  }
0x74: {  	_ =	shalt  }
0x75: {  	_ =	shalt  }
0x76: {  	_ =	shalt  }
0x77: {  	_ =	shalt  }
0x78: {  	_ =	shalt  }
0x79: {  	_ =	shalt  }
0x7a: {  	_ =	shalt  }
0x7b: {  	_ =	shalt  }
0x7c: {  	_ =	shalt  }
0x7d: {  	_ =	shalt  }
0x7e: {  	_ =	shalt  }
0x7f: {  	_ =	shalt  }
0x80: {  	_ =	shalt  }
0x81: {  	_ =	shalt  }
0x82: {  	_ =	shalt  }
0x83: {  	_ =	shalt  }
0x84: {  	_ =	shalt  }
0x85: {  	_ =	shalt  }
0x86: {  	_ =	shalt  }
0x87: {  	_ =	shalt  }
.Lfunc_end0:
.L_simem_size_0:
called_computation_lowered:
.L_overlay_start_0:
0x88: {  	s2 =	sld [smem:$0x3FD9]  }
0x89: {  	s3 =	sld [smem:$0x3FFE];
	_ =	sdelay $0x1  }
0x8a: {  	s1 =	srdreg.scid  }
0x8b: {  	s0 =	sand.u32 $0x1, s1  }
0x8c: {  	s16 =	sshll.u32 s0, $0xA;
	s2 =	sadd.s32 s3, s2  }
0x8d: {  	s2 =	sadd.s32 s2, s16  }
0x8e: {  	[smem:$0x3FC6] =	sst s2  }
0x8f: {  	_ = 	snop  }
0x90: {  	(tm) =	ssettm $0x1  }
0x91: {  	s17 =	sld [smem:$0x3FFB];
	_ =	sdelay $0x3  }
0x92: {  	_ =	strace s17  }
0x93: {  	s2 =	sld [smem:$0x3FFC];
	_ =	sdelay $0x3  }
0x94: {  	_ =	strace s2  }
0x95: {  	s2 =	sld [smem:$0x3FFD];
	_ =	sdelay $0x3  }
0x96: {  	_ =	strace s2  }
0x97: {  	_ =	strace $0x8FFFFFFF  }
0x98: {  	s18 =	sld [smem:$0x3FDB];
	_ =	sdelay $0x1  }
0x99: {  	s19 =	simm.s32 $_scs_section_size  }
0x9a: {  	s4 =	simm.s32 $_size__tile_overlayer_lowered;
	s5 =	simm.s32 $_tile_overlayer_lowered  }
0x9b: {  	s22 =	simm.s32 $0x1BFF;
	s21 =	sshll.u32 s5, $0x1;
	s2 =	sadd.s32 s19, s18  }
0x9c: {  	s6 =	simm.s32 $0x0;
	s20 =	sshll.u32 s4, $0x1;
	s4 =	sadd.s32 s21, s2  }
0x9d: {  	[timem:s6], [sflag:s22] =	dma.local [hbm:s4], s20  }
0x9e: {  	_ =	swait.ge [sflag:s22], s20  }
0x9f: {  	s3 =	ssub.s32 $0x0, s20;
	[sflag:s22] =	ssyncset.done $0x0  }
0xa0: {  	[sflag:s22] =	ssyncadd.s32 s3;
	_ =	sdelay $0x1  }
0xa1: {  	s23 =	simm.s32 $0x1B8B  }
0xa2: {  	_ =	swait.ge [sflag:s23], $0x1  }
0xa3: {  	[sflag:s23] =	ssyncset.done $0x0  }
0xa4: {  	s25 =	simm.s32 $0x1B8E;
	s24 =	sld [smem:$0x3FFE];
	[sflag:s23] =	ssyncadd.s32 $0xFFFFFFFF  }
0xa5: {  	s26 =	simm.s32 $execute0_lowered;
	[smem:$0x3FD2] =	sst s25  }
0xa6: {  	s4 =	sshll.u32 s26, $0x1;
	_ =	strace $0x80000046;
	[dreg:$0x1] =	wrdreg $0xFFFFFFFF  }
0xa7: {  	s28 =	simm.s32 $_size_execute0_lowered;
	s2 =	sadd.s32 s2, s4;
	[dreg:$0x0] =	wrdreg $0x0  }
0xa8: {  	s4 =	sshll.u32 s28, $0x1;
	[dreg:$0x2] =	wrdreg s2  }
0xa9: {  	[dreg:$0x3] =	wrdreg s4  }
0xaa: {  	[dreg:$0x4] =	wrdreg $0xC0  }
0xab: {  	_ =	task [dreg:s6], $0x5FFFF  }
0xac: {  	[dreg:$0x1] =	wrdreg $0xFFFFFFFF  }
0xad: {  	[dreg:$0x0] =	wrdreg $0x60  }
0xae: {  	[dreg:$0x2] =	wrdreg s24  }
0xaf: {  	[dreg:$0x3] =	wrdreg $0x9  }
0xb0: {  	_ =	task.clear_ibuf [dreg:s6], $0x4FFFF;
	_ =	strace $0x90000046  }
0xb1: {  	s29 =	simm.s32 $0x9;
	_ =	strace $0x80000048  }
0xb2: {  	_ =	swait.ge [sflag:s29], $0x1  }
0xb3: {  	[sflag:s29] =	ssyncadd.s32 $0xFFFFFFFF  }
0xb4: {  	_ =	strace $0x90000048  }
0xb5: {  	_ =	sfence  }
0xb6: {  	s30 =	sld [smem:$0x0];
	_ =	sdelay $0x2  }
0xb7: {  	s31 =	sshll.u32 s1, $0xD;
	s1 =	sshrl.u32 s1, $0x2  }
0xb8: {  	s3 =	sand.u32 $0x4000, s31;
	s1 =	sadd.s32 s1, s30  }
0xb9: {  	s0 =	sor.u32 s3, s0;
	s1 =	sshll.u32 s1, $0x11  }
0xba: {  	s0 =	sor.u32 s1, s0  }
0xbb: {  	s0 =	sadd.s32 $0x8F2B, s0  }
0xbc: {  	[sflag:s0] =	ssyncadd.remote.s32 $0x1  }
0xbd: {  	_ =	sfence.sel $0xFFFF  }
0xbe: {  	[dreg:$0x0] =	wrdreg $0xFFFFFFFF;
	(pc) =	sbr.abs _section_cstart, $3  }
0xbf: {  	[dreg:$0x1] =	wrdreg $0xFFFFFFFF  }
0xc0: {  	_ =	task.clear_ibuf [dreg:s6], $0x2FFFF;
	_ =	strace $0x9FFFFFFF  }
0xc1: {  	(tm) =	ssettm $0x7FFFFFFF  }
tec
execute0_lowered:
.L_overlay_start_1:
0x0: {  	(tag) =	ssettag $0x1  }
0x1: {  	s0 =	srdreg.scid  }
0x2: {  	s8 =	stileid.u32;
	s1 =	rddreg [dreg:$0x0];
	s2 =	simm.s32 $0x0  }
0x3: {  	s12 =	simm.s32 $0x80;
	s13 =	simm.s32 $0xC80;
	s14 =	simm.s32 $0x2C80  }
0x4: {  	s16 =	simm.s32 $0x4C80;
	s18 =	simm.s32 $0x6C80;
	s20 =	simm.s32 $0x8C80  }
0x5: {  	s21 =	simm.s32 $0x1;
	s22 =	simm.s32 $0x6;
	s23 =	simm.s32 $0x2  }
0x6: {  	s24 =	simm.s32 $0x3;
	s28 =	simm.s32 $0x0;
	s4 =	smul.u32 $0x1900, s8  }
0x7: {  	s6 =	sand.u32 $0x1, s0;
	s25 =	sshll.u32 s8, $0x1;
	s11 =	smul.u32 $0xC800, s8  }
0x8: {  	[smem:$0x7FF] =	sst s2;
	s3 =	sadd.s32 $0x3600, s1;
	s5 =	smul.u32 $0xC80, s6  }
0x9: {  	s0 =	sor.u32 s6, s25;
	s7 =	ssub.s32 $0x2, s6;
	s6 =	smul.u32 $0x6400, s6  }
0xa: {  	s10 =	sadd.s32 $0xC6C00, s1;
	_ =	strace $0x80000047;
	s0 =	smul.u32 $0xC80, s0  }
0xb: {  	s25 =	simm.s32 $0x4;
	s26 =	sshrl.u32 s7, $0x1;
	s31 =	sadd.s32 s11, s10  }
0xc: {  	s11 =	simm.s32 $0x7;
	s5 =	sadd.s32 s5, s4;
	s0 =	sshrl.u32 s0, $0x3  }
.Ltmp0:
0xd: {  	s29 =	sshll.u32 s5, $0x3;
	s0 =	sadd.s32 s0, s1;
	(pc) =	sbr.rel .LBB2_1-.Ltmp0, $4  }
0xe: {  	s1 =	ssub.s32 s7, s26;
	s30 =	sadd.s32 s10, s29;
	s10 =	sadd.s32 s6, s31  }
0xf: {  	s26 =	simm.s32 $0x5;
	s0 =	sadd.s32 $0x400, s0;
	s1 =	smax.u32 s1, $0x1  }
0x10: {  	s8 =	sadd.s32 $0x800, s30;
	s9 =	sadd.s32 $0x400, s30;
	[dreg:$0x2] =	wrdreg s0  }
0x11: {  	[dreg:$0x3] =	wrdreg s1;
	s0 =	sadd.s32 $0x1000, s30;
	s1 =	sadd.s32 $0xC00, s30  }
.LBB2_4:
0x12: {  	s28 =	sadd.s32 $0x1, s28;
	s4 =	rddreg [dreg:$0x3]  }
0x13: {  	p0 =	sne.s32 s28, s4  }
.Ltmp1:
0x14: {  	_ = 	snop;
	(pc) =	sbr.rel @!p0 .LBB2_5-.Ltmp1, $1  }
0x15: {  	_ =	sdelay $0x3  }
.LBB2_1:
0x16: {  	s4 =	rddreg [dreg:$0x2]  }
0x17: {  	[tilespmem:s2], [sflag:$0x7] =	stream.linear.gather [hbm4b:s4+s2], $0xC80, $0x38;
	[tilespmem:$0xAC80] =	vst v63  }
0x18: {  	_ =	swait.ge [sflag:s11], $0xC80  }
0x19: {  	[sflag:s11] =	ssyncset.done $0x0  }
0x1a: {  	[sflag:s11] =	ssyncadd.s32 $0xFFFFF380  }
0x1b: {  	[tilespmem:s13], [sflag:$0x1] =	stream.indirect.gather [hbm4b:s3+s12], $0x40, s2, s12, $0xb8;
	[tilespmem:$0xAC80] =	vst v63  }
0x1c: {  	_ = 	snop  }
0x1d: {  	[tilespmem:s14], [sflag:$0x2] =	stream.indirect.gather [hbm4b:s3+s12], $0x40, s12, s12, $0xb8;
	[tilespmem:$0xAC80] =	vst v63  }
0x1e: {  	s15 =	simm.s32 $0x100;
	s17 =	simm.s32 $0x180;
	s19 =	simm.s32 $0x200  }
0x1f: {  	[tilespmem:s16], [sflag:$0x3] =	stream.indirect.gather [hbm4b:s3+s12], $0x40, s15, s12, $0xb8;
	[tilespmem:$0xAC80] =	vst v63  }
0x20: {  	s29 =	smov.u32 s10;
	s30 =	smov.u32 s9;
	s31 =	smov.u32 s8  }
0x21: {  	[tilespmem:s18], [sflag:$0x4] =	stream.indirect.gather [hbm4b:s3+s12], $0x40, s17, s12, $0xb8;
	[tilespmem:$0xAC80] =	vst v63  }
0x22: {  	s7 =	smov.u32 s1;
	s6 =	smov.u32 s0;
	s15 =	simm.s32 $0x0  }
0x23: {  	[tilespmem:s20], [sflag:$0x5] =	stream.indirect.gather [hbm4b:s3+s12], $0x40, s19, s12, $0xb8;
	[tilespmem:$0xAC80] =	vst v63  }
.LBB2_2:
0x24: {  	_ =	swait.ge [sflag:s21], $0x2000  }
0x25: {  	[sflag:s21] =	ssyncset.done $0x0  }
0x26: {  	[sflag:s21] =	ssyncadd.s32 $0xFFFFE000  }
0x27: {  	[hbm4b:s29+s2] =	stream.linear.scatter [tilespmem:s13], [sflag:$0x6], $0x2000, $0x38;
	[tilespmem:$0xAC80] =	vst v63  }
0x28: {  	p0 =	seq.s32 s15, $0x2800;
	_ =	swait.ge [sflag:s22], $0x2000  }
0x29: {  	s17 =	sshra.s32 @!p0 s15, $0x2;
	s4 =	simm.s32 @!p0 $0x80;
	[sflag:s22] =	ssyncset.done $0x0  }
0x2a: {  	s5 =	simm.s32 @!p0 $0xC80;
	s19 =	sadd.s32 @!p0 $0x280, s17;
	[sflag:s22] =	ssyncadd.s32 $0xFFFFE000  }
0x2b: {  	[tilespmem:s5], [sflag:$0x1] =	stream.indirect.gather @!p0 [hbm4b:s3+s4], $0x40, s19, s4, $0xb8;
	[tilespmem:$0xAC80] =	vst v63  }
0x2c: {  	_ =	swait.ge [sflag:s23], $0x2000  }
0x2d: {  	[sflag:s23] =	ssyncset.done $0x0  }
0x2e: {  	[sflag:s23] =	ssyncadd.s32 $0xFFFFE000  }
0x2f: {  	[hbm4b:s30+s2] =	stream.linear.scatter [tilespmem:s14], [sflag:$0x6], $0x2000, $0x38;
	[tilespmem:$0xAC80] =	vst v63  }
0x30: {  	_ =	swait.ge [sflag:s22], $0x2000  }
0x31: {  	[sflag:s22] =	ssyncset.done $0x0  }
0x32: {  	s5 =	sadd.s32 @!p0 $0x300, s17;
	s19 =	simm.s32 @!p0 $0x2C80;
	[sflag:s22] =	ssyncadd.s32 $0xFFFFE000  }
0x33: {  	[tilespmem:s19], [sflag:$0x2] =	stream.indirect.gather @!p0 [hbm4b:s3+s4], $0x40, s5, s4, $0xb8;
	[tilespmem:$0xAC80] =	vst v63  }
0x34: {  	_ =	swait.ge [sflag:s24], $0x2000  }
0x35: {  	[sflag:s24] =	ssyncset.done $0x0  }
0x36: {  	[sflag:s24] =	ssyncadd.s32 $0xFFFFE000  }
0x37: {  	[hbm4b:s31+s2] =	stream.linear.scatter [tilespmem:s16], [sflag:$0x6], $0x2000, $0x38;
	[tilespmem:$0xAC80] =	vst v63  }
0x38: {  	_ =	swait.ge [sflag:s22], $0x2000  }
0x39: {  	[sflag:s22] =	ssyncset.done $0x0  }
0x3a: {  	s5 =	sadd.s32 @!p0 $0x380, s17;
	s19 =	simm.s32 @!p0 $0x4C80;
	[sflag:s22] =	ssyncadd.s32 $0xFFFFE000  }
0x3b: {  	[tilespmem:s19], [sflag:$0x3] =	stream.indirect.gather @!p0 [hbm4b:s3+s4], $0x40, s5, s4, $0xb8;
	[tilespmem:$0xAC80] =	vst v63  }
0x3c: {  	_ =	swait.ge [sflag:s25], $0x2000  }
0x3d: {  	[sflag:s25] =	ssyncset.done $0x0  }
0x3e: {  	[sflag:s25] =	ssyncadd.s32 $0xFFFFE000  }
0x3f: {  	[hbm4b:s7+s2] =	stream.linear.scatter [tilespmem:s18], [sflag:$0x6], $0x2000, $0x38;
	[tilespmem:$0xAC80] =	vst v63  }
0x40: {  	_ =	swait.ge [sflag:s22], $0x2000  }
0x41: {  	[sflag:s22] =	ssyncset.done $0x0  }
0x42: {  	s5 =	sadd.s32 @!p0 $0x400, s17;
	s17 =	simm.s32 @!p0 $0x6C80;
	[sflag:s22] =	ssyncadd.s32 $0xFFFFE000  }
0x43: {  	[tilespmem:s17], [sflag:$0x4] =	stream.indirect.gather @!p0 [hbm4b:s3+s4], $0x40, s5, s4, $0xb8;
	[tilespmem:$0xAC80] =	vst v63  }
0x44: {  	_ =	swait.ge [sflag:s26], $0x2000  }
0x45: {  	[sflag:s26] =	ssyncset.done $0x0  }
.Ltmp2:
0x46: {  	[sflag:s26] =	ssyncadd.s32 $0xFFFFE000;
	(pc) =	sbr.rel @p0 .LBB2_4-.Ltmp2, $4  }
0x47: {  	[hbm4b:s6+s2] =	stream.linear.scatter [tilespmem:s20], [sflag:$0x6], $0x2000, $0x38;
	[tilespmem:$0xAC80] =	vst v63  }
0x48: {  	_ =	swait.ge [sflag:s22], $0x2000  }
0x49: {  	[sflag:s22] =	ssyncset.done $0x0  }
0x4a: {  	[sflag:s22] =	ssyncadd.s32 $0xFFFFE000  }
.Ltmp3:
0x4b: {  	(pc) =	sbr.rel .LBB2_2-.Ltmp3, $4  }
0x4c: {  	s4 =	sshra.s32 s15, $0x2;
	s15 =	sadd.s32 $0xA00, s15  }
0x4d: {  	s6 =	sadd.s32 $0x1400, s6;
	s7 =	sadd.s32 $0x1400, s7;
	s31 =	sadd.s32 $0x1400, s31  }
0x4e: {  	s30 =	sadd.s32 $0x1400, s30;
	s29 =	sadd.s32 $0x1400, s29;
	s4 =	sadd.s32 $0x480, s4  }
0x4f: {  	[tilespmem:s20], [sflag:$0x5] =	stream.indirect.gather [hbm4b:s3+s12], $0x40, s4, s12, $0xb8;
	[tilespmem:$0xAC80] =	vst v63  }
.LBB2_5:
0x50: {  	_ =	sfence.sel $0x180000  }
0x51: {  	[bflag:$0x0] =	sbarrier.arrive $0xFFFF  }
0x52: {  	_ =	strace $0x90000047  }
0x53: {  	s0 =	stileid.u32;
	[bflag:$0x2] =	sbarrier.arrive $0xFFFF  }
0x54: {  	p0 =	sne.s32 s0, $0x0;
	s0 =	rddreg [dreg:$0x1]  }
0x55: {  	s0 =	sadd.s32 @!p0 $0x100000, s0  }
0x56: {  	[sflag:s0] =	ssyncadd.tile.s32 @!p0 $0x1;
	_ =	shalt  }
.Lfunc_end2:
_tile_overlayer_lowered:
.L_overlay_start_2:
0x57: {  	(tag) =	ssettag $0x2  }
0x58: {  	s0 =	rddreg [dreg:$0x0];
	s2 =	stileid.u32  }
0x59: {  	s1 =	rddreg [dreg:$0x1];
	p0 =	sne.s32 s2, $0x0  }
0x5a: {  	s3 =	rddreg [dreg:$0x2];
	[bflag:$0x3] =	sbarrier.arrive $0xFFFF;
	s2 =	simm.s32 @!p0 $0x1C07  }
0x5b: {  	[timem:s3], [sflag:s2] =	dma.local @!p0 [hbm:s0], s1  }
0x5c: {  	s0 =	simm.s32 @!p0 $0x7  }
0x5d: {  	_ =	swait.ge @!p0 [sflag:s0], s1  }
0x5e: {  	s1 =	ssub.s32 @!p0 $0x0, s1;
	[sflag:s0] =	ssyncset.done @!p0 $0x0  }
0x5f: {  	[sflag:s0] =	ssyncadd.s32 @!p0 s1  }
0x60: {  	[bflag:$0x3] =	sbarrier.arrive $0xFFFF  }
0x61: {  	_ =	shalt  }

</sc_bundles>
